<compile_context>
chip_gen: v7x
topology: tpu7x:2x2x1
jax: 0.10.2.dev20260603
libtpu: 0.0.44.dev20260713+nightly
codegen_flags: <defaults>
</compile_context>

<pallas_src>
import jax
import jax.numpy as jnp
from jax import lax
from jax.experimental import pallas as pl
from jax.experimental.pallas import tpu as pltpu
from jax.experimental.pallas import tpu_sc as plsc

_DIM = 512
_HID = 512
_E = 16
_LIMIT = 7.0
_TOK = 64


def _gate_body(x_ref, gwt_ref, gb_ref, g_ref):
    dnt = (((1,), (1,)), ((), ()))
    g_ref[...] = (
        lax.dot_general(x_ref[...], gwt_ref[...], dnt,
                        preferred_element_type=jnp.float32)
        + gb_ref[...]
    )


def _gate_call(x, gate_w, gate_b):
    return pl.pallas_call(
        _gate_body,
        out_shape=jax.ShapeDtypeStruct((_TOK, _E), jnp.float32),
    )(x, gate_w.T, gate_b)


def _route_body(g_hbm, p_hbm, g_v, p_v):
    wid = lax.axis_index("s")
    base = wid * 4
    pltpu.sync_copy(g_hbm.at[pl.ds(base, 4)], g_v)
    iota = lax.iota(jnp.int32, 16)
    neg = jnp.float32(jnp.finfo(jnp.float32).min)

    gdn = lax.GatherDimensionNumbers(
        offset_dims=(), collapsed_slice_dims=(0,), start_index_map=(0,)
    )

    def _perm(u, idx):
        return lax.gather(
            u, idx[:, None], gdn, slice_sizes=(1,),
            mode=lax.GatherScatterMode.PROMISE_IN_BOUNDS,
        )

    def _bfly(u, op):
        for s in (8, 4, 2, 1):
            u = op(u, _perm(u, iota ^ s))
        return u

    for j in range(4):
        v = g_v[j]
        m1 = _bfly(v, jnp.maximum)
        i1 = _bfly(jnp.where(v == m1, iota, _E), jnp.minimum)
        mask1 = iota == i1
        v2 = jnp.where(mask1, neg, v)
        m2 = _bfly(v2, jnp.maximum)
        i2 = _bfly(jnp.where(v2 == m2, iota, _E), jnp.minimum)
        mask2 = iota == i2
        a = jnp.exp(m2 - m1)
        p1 = 1.0 / (1.0 + a)
        p2 = a / (1.0 + a)
        row = jnp.where(mask1, p1, jnp.where(mask2, p2, jnp.float32(0.0)))
        p_v[j] = row
    pltpu.sync_copy(p_v, p_hbm.at[pl.ds(base, 4)])


def _route_call(g):
    mesh = plsc.VectorSubcoreMesh(
        core_axis_name="c", subcore_axis_name="s", num_cores=1
    )
    kern = pl.kernel(
        _route_body,
        mesh=mesh,
        out_type=jax.ShapeDtypeStruct((_TOK, _E), jnp.float32),
        scratch_types=[
            pltpu.VMEM((4, _E), jnp.float32),
            pltpu.VMEM((4, _E), jnp.float32),
        ],
    )
    return kern(g)


_EPB = 4


def _ffn_body(x_ref, p_ref, w1_ref, b1_ref, w2_ref, b2_ref, out_ref,
              sg_ref, sl_ref):
    eb = pl.program_id(0)

    @pl.when(eb == 0)
    def _():
        ri = lax.broadcasted_iota(jnp.int32, (2 * _HID, _HID), 0)
        ci = lax.broadcasted_iota(jnp.int32, (2 * _HID, _HID), 1)
        sg_ref[...] = (ri == 2 * ci).astype(jnp.bfloat16)
        sl_ref[...] = (ri == 2 * ci + 1).astype(jnp.bfloat16)

    x = x_ref[...].astype(jnp.bfloat16)
    dnt = (((1,), (1,)), ((), ()))
    dnk = (((1,), (0,)), ((), ()))
    lane = lax.broadcasted_iota(jnp.int32, (_TOK, _E), 1)
    acc = None
    for es in range(_EPB):
        e = eb * _EPB + es
        w1e = w1_ref[es].astype(jnp.bfloat16)
        h = lax.dot_general(x, w1e, dnt, preferred_element_type=jnp.float32)
        h = (h + b1_ref[pl.ds(e, 1), :]).astype(jnp.bfloat16)
        hg = lax.dot_general(h, sg_ref[...], dnk,
                             preferred_element_type=jnp.float32)
        hl = lax.dot_general(h, sl_ref[...], dnk,
                             preferred_element_type=jnp.float32)
        hg = jnp.minimum(hg, _LIMIT)
        hl = jnp.clip(hl, -_LIMIT, _LIMIT)
        act = (hg * jax.nn.sigmoid(1.702 * hg) * (hl + 1.0)).astype(jnp.bfloat16)
        w2e = w2_ref[es].astype(jnp.bfloat16)
        y = lax.dot_general(act, w2e, dnt, preferred_element_type=jnp.float32)
        y = y + b2_ref[pl.ds(e, 1), :]
        p = jnp.sum(jnp.where(lane == e, p_ref[...], 0.0), axis=1,
                    keepdims=True)
        acc = p * y if acc is None else acc + p * y

    @pl.when(eb == 0)
    def _():
        out_ref[...] = acc

    @pl.when(eb > 0)
    def _():
        out_ref[...] += acc


def _ffn_call(x, p, w1, b1, w2, b2):
    return pl.pallas_call(
        _ffn_body,
        grid=(_E // _EPB,),
        in_specs=[
            pl.BlockSpec((_TOK, _DIM), lambda e: (0, 0)),
            pl.BlockSpec((_TOK, _E), lambda e: (0, 0)),
            pl.BlockSpec((_EPB, 2 * _HID, _DIM), lambda e: (e, 0, 0)),
            pl.BlockSpec((_E, 2 * _HID), lambda e: (0, 0)),
            pl.BlockSpec((_EPB, _DIM, _HID), lambda e: (e, 0, 0)),
            pl.BlockSpec((_E, _DIM), lambda e: (0, 0)),
        ],
        out_specs=pl.BlockSpec((_TOK, _DIM), lambda e: (0, 0)),
        out_shape=jax.ShapeDtypeStruct((_TOK, _DIM), jnp.float32),
        scratch_shapes=[
            pltpu.VMEM((2 * _HID, _HID), jnp.bfloat16),
            pltpu.VMEM((2 * _HID, _HID), jnp.bfloat16),
        ],
        compiler_params=pltpu.CompilerParams(
            dimension_semantics=("arbitrary",),
        ),
    )(x, p, w1, b1, w2, b2)


def kernel(x, gate_w, gate_b, w1, b1, w2, b2):
    g = _gate_call(x, gate_w, gate_b)
    p = _route_call(g)
    return _ffn_call(x, p, w1, b1, w2, b2)

# --- scband reference (transcript-rebuilt; emitter-appended) ---
"""Pipeline reference for scband-mo-efeed-forward-7722351198651 (READ-ONLY COPY).

The authoritative reference and input builder live on the scoring server;
editing this copy changes nothing except your own understanding.
"""

import jax, jax.numpy as jnp
import numpy as np

DIM = 512
HID = 512
E = 16
K = 2
LIMIT = 7.0
TOK = 64


def setup_inputs(seed: int = 0) -> dict:
    key = jax.random.key(seed)
    ks = jax.random.split(key, 6)
    x = jax.random.normal(ks[0], (TOK, DIM), dtype=jnp.float32)
    gate_w = jax.random.normal(ks[1], (DIM, E), dtype=jnp.float32) * 0.02
    gate_b = jnp.zeros((E,), dtype=jnp.float32)
    w1 = jax.random.normal(ks[2], (E, 2 * HID, DIM), dtype=jnp.float32) * 0.02
    b1 = jnp.zeros((E, 2 * HID), dtype=jnp.float32)
    w2 = jax.random.normal(ks[3], (E, DIM, HID), dtype=jnp.float32) * 0.02
    b2 = jnp.zeros((E, DIM), dtype=jnp.float32)
    return {"x": x, "gate_w": gate_w, "gate_b": gate_b, "w1": w1, "b1": b1, "w2": w2, "b2": b2}


def reference(x, gate_w, gate_b, w1, b1, w2, b2):
    # gate: nn.Linear(dim, num_experts)
    g = x @ gate_w + gate_b  # [B, E]
    vals, idx = jax.lax.top_k(g, K)  # [B, K]
    expert_weights = jax.nn.softmax(vals, axis=-1)  # [B, K]
    # dense per-token gather of expert weights
    w1g = jnp.take(w1, idx, axis=0)  # [B, K, 2H, DIM]
    b1g = jnp.take(b1, idx, axis=0)  # [B, K, 2H]
    w2g = jnp.take(w2, idx, axis=0)  # [B, K, DIM, H]
    b2g = jnp.take(b2, idx, axis=0)  # [B, K, DIM]
    h = jnp.einsum('beck,bk->bec', w1g, x) + b1g  # [B, K, 2H]
    h_glu = h[..., ::2]
    h_linear = h[..., 1::2]
    h_glu = jnp.minimum(h_glu, LIMIT)
    h_linear = jnp.clip(h_linear, -LIMIT, LIMIT)
    h = h_glu * jax.nn.sigmoid(1.702 * h_glu) * (h_linear + 1.0)  # [B, K, H]
    h = jnp.einsum('beck,bek->bec', w2g, h) + b2g  # [B, K, DIM]
    out = jnp.einsum('bec,be->bc', h, expert_weights)  # [B, DIM]
    return out

if __name__ == "__main__":
    import jax
    _d = setup_inputs()
    print(jax.jit(kernel)(*tuple(_d.values())))

</pallas_src>

<mosaic_0001>
#map = affine_map<(d0, d1) -> (0, 0)>
module attributes {stable_mosaic.version = 14 : i64} {
  func.func @_route_body(%arg0: i32, %arg1: i32, %arg2: memref<64x16xf32, #tpu.memory_space<hbm>>, %arg3: memref<64x16xf32, #tpu.memory_space<hbm>>, %arg4: memref<4x16xf32, #tpu.memory_space<vmem>>, %arg5: memref<4x16xf32, #tpu.memory_space<vmem>>) attributes {dimension_semantics = [#tpu.dimension_semantics<core_parallel>, #tpu.dimension_semantics<subcore_parallel>], iteration_bounds = array<i64: 1, 16>, scalar_prefetch = 0 : i64, scratch_operands = 2 : i64, tpu.core_type = #tpu.core_type<sc_vector_subcore>, window_params = [{transform_indices = #map}, {transform_indices = #map}]} {
    %mul3A = arith.constant 4 : i32
    %mul3A_0 = arith.muli %arg1, %mul3A : i32
    "tpu.region"() ({
      %run_scoped3A = tpu.sem_alloc : memref<!tpu.dma_semaphore, #tpu.memory_space<semaphore_mem>>
      %dma_start3A = arith.constant 0 : i32
      %dma_start3A_595 = tpu.memref_slice %arg2[%mul3A_0, %dma_start3A] : memref<64x16xf32, #tpu.memory_space<hbm>> -> memref<4x16xf32, #tpu.memory_space<hbm>>
      %dma_start3A_596 = arith.constant 0 : i32
      %dma_start3A_597 = tpu.memref_slice %arg2[%mul3A_0, %dma_start3A_596] : memref<64x16xf32, #tpu.memory_space<hbm>> -> memref<4x16xf32, #tpu.memory_space<hbm>>
      tpu.enqueue_dma source(%dma_start3A_597 : memref<4x16xf32, #tpu.memory_space<hbm>>) target(%arg4 : memref<4x16xf32, #tpu.memory_space<vmem>>) target_semaphore(%run_scoped3A : memref<!tpu.dma_semaphore, #tpu.memory_space<semaphore_mem>>)
      %dma_wait3A = arith.constant 0 : i32
      %dma_wait3A_598 = tpu.memref_slice %arg2[%mul3A_0, %dma_wait3A] : memref<64x16xf32, #tpu.memory_space<hbm>> -> memref<4x16xf32, #tpu.memory_space<hbm>>
      %dma_wait3A_599 = arith.constant 0 : i32
      %dma_wait3A_600 = tpu.memref_slice %arg2[%mul3A_0, %dma_wait3A_599] : memref<64x16xf32, #tpu.memory_space<hbm>> -> memref<4x16xf32, #tpu.memory_space<hbm>>
      tpu.wait_dma2 semaphore(%run_scoped3A : memref<!tpu.dma_semaphore, #tpu.memory_space<semaphore_mem>>) src(%dma_wait3A_600 : memref<4x16xf32, #tpu.memory_space<hbm>>) dst(%arg4 : memref<4x16xf32, #tpu.memory_space<vmem>>)
      tpu.yield
    }) : () -> ()
    %iota3A = tpu.iota {dimensions = array<i32: 0>} : vector<16xi32>
    %get3A = arith.constant 0 : i32
    %get3A_1 = arith.index_cast %get3A : i32 to index
    %get3A_2 = arith.constant 0 : index
    %get3A_3 = tpu.vector_load %arg4[%get3A_1, %get3A_2] {strides = array<i32>} : memref<4x16xf32, #tpu.memory_space<vmem>>, vector<1x16xf32>,
    %get3A_4 = vector.shape_cast %get3A_3 : vector<1x16xf32> to vector<16xf32>
    %xor3A = arith.constant 8 : i32
    %xor3A_5 = vector.broadcast %xor3A : i32 to vector<16xi32>
    %xor3A_6 = arith.xori %iota3A, %xor3A_5 : vector<16xi32>
    %broadcast_in_dim3A = vector.shape_cast %xor3A_6 : vector<16xi32> to vector<16x1xi32>
    %gather3A = vector.shape_cast %broadcast_in_dim3A : vector<16x1xi32> to vector<16xi32>
    %gather3A_7 = tpu.dynamic_gather %get3A_4[%gather3A] in [0] : vector<16xf32>, vector<16xi32> -> vector<16xf32>
    %max3A = arith.maximumf %get3A_4, %gather3A_7 : vector<16xf32>
    %xor3A_8 = arith.constant 4 : i32
    %xor3A_9 = vector.broadcast %xor3A_8 : i32 to vector<16xi32>
    %xor3A_10 = arith.xori %iota3A, %xor3A_9 : vector<16xi32>
    %broadcast_in_dim3A_11 = vector.shape_cast %xor3A_10 : vector<16xi32> to vector<16x1xi32>
    %gather3A_12 = vector.shape_cast %broadcast_in_dim3A_11 : vector<16x1xi32> to vector<16xi32>
    %gather3A_13 = tpu.dynamic_gather %max3A[%gather3A_12] in [0] : vector<16xf32>, vector<16xi32> -> vector<16xf32>
    %max3A_14 = arith.maximumf %max3A, %gather3A_13 : vector<16xf32>
    %xor3A_15 = arith.constant 2 : i32
    %xor3A_16 = vector.broadcast %xor3A_15 : i32 to vector<16xi32>
    %xor3A_17 = arith.xori %iota3A, %xor3A_16 : vector<16xi32>
    %broadcast_in_dim3A_18 = vector.shape_cast %xor3A_17 : vector<16xi32> to vector<16x1xi32>
    %gather3A_19 = vector.shape_cast %broadcast_in_dim3A_18 : vector<16x1xi32> to vector<16xi32>
    %gather3A_20 = tpu.dynamic_gather %max3A_14[%gather3A_19] in [0] : vector<16xf32>, vector<16xi32> -> vector<16xf32>
    %max3A_21 = arith.maximumf %max3A_14, %gather3A_20 : vector<16xf32>
    %xor3A_22 = arith.constant 1 : i32
    %xor3A_23 = vector.broadcast %xor3A_22 : i32 to vector<16xi32>
    %xor3A_24 = arith.xori %iota3A, %xor3A_23 : vector<16xi32>
    %broadcast_in_dim3A_25 = vector.shape_cast %xor3A_24 : vector<16xi32> to vector<16x1xi32>
    %gather3A_26 = vector.shape_cast %broadcast_in_dim3A_25 : vector<16x1xi32> to vector<16xi32>
    %gather3A_27 = tpu.dynamic_gather %max3A_21[%gather3A_26] in [0] : vector<16xf32>, vector<16xi32> -> vector<16xf32>
    %max3A_28 = arith.maximumf %max3A_21, %gather3A_27 : vector<16xf32>
    %eq3A = arith.cmpf oeq, %get3A_4, %max3A_28 : vector<16xf32>
    %jit3A = arith.constant 16 : i32
    %broadcast_in_dim3A_29 = vector.broadcast %jit3A : i32 to vector<16xi32>
    %select_n3A = arith.select %eq3A, %iota3A, %broadcast_in_dim3A_29 : vector<16xi1>, vector<16xi32>
    %xor3A_30 = arith.constant 8 : i32
    %xor3A_31 = vector.broadcast %xor3A_30 : i32 to vector<16xi32>
    %xor3A_32 = arith.xori %iota3A, %xor3A_31 : vector<16xi32>
    %broadcast_in_dim3A_33 = vector.shape_cast %xor3A_32 : vector<16xi32> to vector<16x1xi32>
    %gather3A_34 = vector.shape_cast %broadcast_in_dim3A_33 : vector<16x1xi32> to vector<16xi32>
    %gather3A_35 = tpu.dynamic_gather %select_n3A[%gather3A_34] in [0] : vector<16xi32>, vector<16xi32> -> vector<16xi32>
    %min3A = arith.minsi %select_n3A, %gather3A_35 : vector<16xi32>
    %xor3A_36 = arith.constant 4 : i32
    %xor3A_37 = vector.broadcast %xor3A_36 : i32 to vector<16xi32>
    %xor3A_38 = arith.xori %iota3A, %xor3A_37 : vector<16xi32>
    %broadcast_in_dim3A_39 = vector.shape_cast %xor3A_38 : vector<16xi32> to vector<16x1xi32>
    %gather3A_40 = vector.shape_cast %broadcast_in_dim3A_39 : vector<16x1xi32> to vector<16xi32>
    %gather3A_41 = tpu.dynamic_gather %min3A[%gather3A_40] in [0] : vector<16xi32>, vector<16xi32> -> vector<16xi32>
    %min3A_42 = arith.minsi %min3A, %gather3A_41 : vector<16xi32>
    %xor3A_43 = arith.constant 2 : i32
    %xor3A_44 = vector.broadcast %xor3A_43 : i32 to vector<16xi32>
    %xor3A_45 = arith.xori %iota3A, %xor3A_44 : vector<16xi32>
    %broadcast_in_dim3A_46 = vector.shape_cast %xor3A_45 : vector<16xi32> to vector<16x1xi32>
    %gather3A_47 = vector.shape_cast %broadcast_in_dim3A_46 : vector<16x1xi32> to vector<16xi32>
    %gather3A_48 = tpu.dynamic_gather %min3A_42[%gather3A_47] in [0] : vector<16xi32>, vector<16xi32> -> vector<16xi32>
    %min3A_49 = arith.minsi %min3A_42, %gather3A_48 : vector<16xi32>
    %xor3A_50 = arith.constant 1 : i32
    %xor3A_51 = vector.broadcast %xor3A_50 : i32 to vector<16xi32>
    %xor3A_52 = arith.xori %iota3A, %xor3A_51 : vector<16xi32>
    %broadcast_in_dim3A_53 = vector.shape_cast %xor3A_52 : vector<16xi32> to vector<16x1xi32>
    %gather3A_54 = vector.shape_cast %broadcast_in_dim3A_53 : vector<16x1xi32> to vector<16xi32>
    %gather3A_55 = tpu.dynamic_gather %min3A_49[%gather3A_54] in [0] : vector<16xi32>, vector<16xi32> -> vector<16xi32>
    %min3A_56 = arith.minsi %min3A_49, %gather3A_55 : vector<16xi32>
    %eq3A_57 = arith.cmpi eq, %iota3A, %min3A_56 : vector<16xi32>
    %jit3A_58 = arith.constant -3.40282347E+38 : f32
    %broadcast_in_dim3A_59 = vector.broadcast %jit3A_58 : f32 to vector<16xf32>
    %select_n3A_60 = arith.select %eq3A_57, %broadcast_in_dim3A_59, %get3A_4 : vector<16xi1>, vector<16xf32>
    %xor3A_61 = arith.constant 8 : i32
    %xor3A_62 = vector.broadcast %xor3A_61 : i32 to vector<16xi32>
    %xor3A_63 = arith.xori %iota3A, %xor3A_62 : vector<16xi32>
    %broadcast_in_dim3A_64 = vector.shape_cast %xor3A_63 : vector<16xi32> to vector<16x1xi32>
    %gather3A_65 = vector.shape_cast %broadcast_in_dim3A_64 : vector<16x1xi32> to vector<16xi32>
    %gather3A_66 = tpu.dynamic_gather %select_n3A_60[%gather3A_65] in [0] : vector<16xf32>, vector<16xi32> -> vector<16xf32>
    %max3A_67 = arith.maximumf %select_n3A_60, %gather3A_66 : vector<16xf32>
    %xor3A_68 = arith.constant 4 : i32
    %xor3A_69 = vector.broadcast %xor3A_68 : i32 to vector<16xi32>
    %xor3A_70 = arith.xori %iota3A, %xor3A_69 : vector<16xi32>
    %broadcast_in_dim3A_71 = vector.shape_cast %xor3A_70 : vector<16xi32> to vector<16x1xi32>
    %gather3A_72 = vector.shape_cast %broadcast_in_dim3A_71 : vector<16x1xi32> to vector<16xi32>
    %gather3A_73 = tpu.dynamic_gather %max3A_67[%gather3A_72] in [0] : vector<16xf32>, vector<16xi32> -> vector<16xf32>
    %max3A_74 = arith.maximumf %max3A_67, %gather3A_73 : vector<16xf32>
    %xor3A_75 = arith.constant 2 : i32
    %xor3A_76 = vector.broadcast %xor3A_75 : i32 to vector<16xi32>
    %xor3A_77 = arith.xori %iota3A, %xor3A_76 : vector<16xi32>
    %broadcast_in_dim3A_78 = vector.shape_cast %xor3A_77 : vector<16xi32> to vector<16x1xi32>
    %gather3A_79 = vector.shape_cast %broadcast_in_dim3A_78 : vector<16x1xi32> to vector<16xi32>
    %gather3A_80 = tpu.dynamic_gather %max3A_74[%gather3A_79] in [0] : vector<16xf32>, vector<16xi32> -> vector<16xf32>
    %max3A_81 = arith.maximumf %max3A_74, %gather3A_80 : vector<16xf32>
    %xor3A_82 = arith.constant 1 : i32
    %xor3A_83 = vector.broadcast %xor3A_82 : i32 to vector<16xi32>
    %xor3A_84 = arith.xori %iota3A, %xor3A_83 : vector<16xi32>
    %broadcast_in_dim3A_85 = vector.shape_cast %xor3A_84 : vector<16xi32> to vector<16x1xi32>
    %gather3A_86 = vector.shape_cast %broadcast_in_dim3A_85 : vector<16x1xi32> to vector<16xi32>
    %gather3A_87 = tpu.dynamic_gather %max3A_81[%gather3A_86] in [0] : vector<16xf32>, vector<16xi32> -> vector<16xf32>
    %max3A_88 = arith.maximumf %max3A_81, %gather3A_87 : vector<16xf32>
    %eq3A_89 = arith.cmpf oeq, %select_n3A_60, %max3A_88 : vector<16xf32>
    %jit3A_90 = arith.constant 16 : i32
    %broadcast_in_dim3A_91 = vector.broadcast %jit3A_90 : i32 to vector<16xi32>
    %select_n3A_92 = arith.select %eq3A_89, %iota3A, %broadcast_in_dim3A_91 : vector<16xi1>, vector<16xi32>
    %xor3A_93 = arith.constant 8 : i32
    %xor3A_94 = vector.broadcast %xor3A_93 : i32 to vector<16xi32>
    %xor3A_95 = arith.xori %iota3A, %xor3A_94 : vector<16xi32>
    %broadcast_in_dim3A_96 = vector.shape_cast %xor3A_95 : vector<16xi32> to vector<16x1xi32>
    %gather3A_97 = vector.shape_cast %broadcast_in_dim3A_96 : vector<16x1xi32> to vector<16xi32>
    %gather3A_98 = tpu.dynamic_gather %select_n3A_92[%gather3A_97] in [0] : vector<16xi32>, vector<16xi32> -> vector<16xi32>
    %min3A_99 = arith.minsi %select_n3A_92, %gather3A_98 : vector<16xi32>
    %xor3A_100 = arith.constant 4 : i32
    %xor3A_101 = vector.broadcast %xor3A_100 : i32 to vector<16xi32>
    %xor3A_102 = arith.xori %iota3A, %xor3A_101 : vector<16xi32>
    %broadcast_in_dim3A_103 = vector.shape_cast %xor3A_102 : vector<16xi32> to vector<16x1xi32>
    %gather3A_104 = vector.shape_cast %broadcast_in_dim3A_103 : vector<16x1xi32> to vector<16xi32>
    %gather3A_105 = tpu.dynamic_gather %min3A_99[%gather3A_104] in [0] : vector<16xi32>, vector<16xi32> -> vector<16xi32>
    %min3A_106 = arith.minsi %min3A_99, %gather3A_105 : vector<16xi32>
    %xor3A_107 = arith.constant 2 : i32
    %xor3A_108 = vector.broadcast %xor3A_107 : i32 to vector<16xi32>
    %xor3A_109 = arith.xori %iota3A, %xor3A_108 : vector<16xi32>
    %broadcast_in_dim3A_110 = vector.shape_cast %xor3A_109 : vector<16xi32> to vector<16x1xi32>
    %gather3A_111 = vector.shape_cast %broadcast_in_dim3A_110 : vector<16x1xi32> to vector<16xi32>
    %gather3A_112 = tpu.dynamic_gather %min3A_106[%gather3A_111] in [0] : vector<16xi32>, vector<16xi32> -> vector<16xi32>
    %min3A_113 = arith.minsi %min3A_106, %gather3A_112 : vector<16xi32>
    %xor3A_114 = arith.constant 1 : i32
    %xor3A_115 = vector.broadcast %xor3A_114 : i32 to vector<16xi32>
    %xor3A_116 = arith.xori %iota3A, %xor3A_115 : vector<16xi32>
    %broadcast_in_dim3A_117 = vector.shape_cast %xor3A_116 : vector<16xi32> to vector<16x1xi32>
    %gather3A_118 = vector.shape_cast %broadcast_in_dim3A_117 : vector<16x1xi32> to vector<16xi32>
    %gather3A_119 = tpu.dynamic_gather %min3A_113[%gather3A_118] in [0] : vector<16xi32>, vector<16xi32> -> vector<16xi32>
    %min3A_120 = arith.minsi %min3A_113, %gather3A_119 : vector<16xi32>
    %eq3A_121 = arith.cmpi eq, %iota3A, %min3A_120 : vector<16xi32>
    %sub3A = arith.subf %max3A_88, %max3A_28 : vector<16xf32>
    %exp3A = math.exp %sub3A : vector<16xf32>
    %add3A = arith.constant 1.000000e+00 : f32
    %add3A_122 = vector.broadcast %add3A : f32 to vector<16xf32>
    %add3A_123 = arith.addf %add3A_122, %exp3A : vector<16xf32>
    %div3A = arith.constant 1.000000e+00 : f32
    %div3A_124 = vector.broadcast %div3A : f32 to vector<16xf32>
    %div3A_125 = arith.divf %div3A_124, %add3A_123 : vector<16xf32>
    %add3A_126 = arith.constant 1.000000e+00 : f32
    %add3A_127 = vector.broadcast %add3A_126 : f32 to vector<16xf32>
    %add3A_128 = arith.addf %add3A_127, %exp3A : vector<16xf32>
    %div3A_129 = arith.divf %exp3A, %add3A_128 : vector<16xf32>
    %jit3A_130 = arith.constant 0.000000e+00 : f32
    %broadcast_in_dim3A_131 = vector.broadcast %jit3A_130 : f32 to vector<16xf32>
    %select_n3A_132 = arith.select %eq3A_121, %div3A_129, %broadcast_in_dim3A_131 : vector<16xi1>, vector<16xf32>
    %select_n3A_133 = arith.select %eq3A_57, %div3A_125, %select_n3A_132 : vector<16xi1>, vector<16xf32>
    %swap3A = arith.constant 0 : i32
    %swap3A_134 = arith.index_cast %swap3A : i32 to index
    %swap3A_135 = arith.constant 0 : index
    %swap3A_136 = tpu.vector_load %arg5[%swap3A_134, %swap3A_135] {strides = array<i32>} : memref<4x16xf32, #tpu.memory_space<vmem>>, vector<1x16xf32>,
    %swap3A_137 = vector.shape_cast %swap3A_136 : vector<1x16xf32> to vector<16xf32>
    %swap3A_138 = vector.shape_cast %select_n3A_133 : vector<16xf32> to vector<1x16xf32>
    tpu.vector_store %arg5[%swap3A_134, %swap3A_135], %swap3A_138 {strides = array<i32>} : memref<4x16xf32, #tpu.memory_space<vmem>>, vector<1x16xf32>,
    %get3A_139 = arith.constant 1 : i32
    %get3A_140 = arith.index_cast %get3A_139 : i32 to index
    %get3A_141 = arith.constant 0 : index
    %get3A_142 = tpu.vector_load %arg4[%get3A_140, %get3A_141] {strides = array<i32>} : memref<4x16xf32, #tpu.memory_space<vmem>>, vector<1x16xf32>,
    %get3A_143 = vector.shape_cast %get3A_142 : vector<1x16xf32> to vector<16xf32>
    %xor3A_144 = arith.constant 8 : i32
    %xor3A_145 = vector.broadcast %xor3A_144 : i32 to vector<16xi32>
    %xor3A_146 = arith.xori %iota3A, %xor3A_145 : vector<16xi32>
    %broadcast_in_dim3A_147 = vector.shape_cast %xor3A_146 : vector<16xi32> to vector<16x1xi32>
    %gather3A_148 = vector.shape_cast %broadcast_in_dim3A_147 : vector<16x1xi32> to vector<16xi32>
    %gather3A_149 = tpu.dynamic_gather %get3A_143[%gather3A_148] in [0] : vector<16xf32>, vector<16xi32> -> vector<16xf32>
    %max3A_150 = arith.maximumf %get3A_143, %gather3A_149 : vector<16xf32>
    %xor3A_151 = arith.constant 4 : i32
    %xor3A_152 = vector.broadcast %xor3A_151 : i32 to vector<16xi32>
    %xor3A_153 = arith.xori %iota3A, %xor3A_152 : vector<16xi32>
    %broadcast_in_dim3A_154 = vector.shape_cast %xor3A_153 : vector<16xi32> to vector<16x1xi32>
    %gather3A_155 = vector.shape_cast %broadcast_in_dim3A_154 : vector<16x1xi32> to vector<16xi32>
    %gather3A_156 = tpu.dynamic_gather %max3A_150[%gather3A_155] in [0] : vector<16xf32>, vector<16xi32> -> vector<16xf32>
    %max3A_157 = arith.maximumf %max3A_150, %gather3A_156 : vector<16xf32>
    %xor3A_158 = arith.constant 2 : i32
    %xor3A_159 = vector.broadcast %xor3A_158 : i32 to vector<16xi32>
    %xor3A_160 = arith.xori %iota3A, %xor3A_159 : vector<16xi32>
    %broadcast_in_dim3A_161 = vector.shape_cast %xor3A_160 : vector<16xi32> to vector<16x1xi32>
    %gather3A_162 = vector.shape_cast %broadcast_in_dim3A_161 : vector<16x1xi32> to vector<16xi32>
    %gather3A_163 = tpu.dynamic_gather %max3A_157[%gather3A_162] in [0] : vector<16xf32>, vector<16xi32> -> vector<16xf32>
    %max3A_164 = arith.maximumf %max3A_157, %gather3A_163 : vector<16xf32>
    %xor3A_165 = arith.constant 1 : i32
    %xor3A_166 = vector.broadcast %xor3A_165 : i32 to vector<16xi32>
    %xor3A_167 = arith.xori %iota3A, %xor3A_166 : vector<16xi32>
    %broadcast_in_dim3A_168 = vector.shape_cast %xor3A_167 : vector<16xi32> to vector<16x1xi32>
    %gather3A_169 = vector.shape_cast %broadcast_in_dim3A_168 : vector<16x1xi32> to vector<16xi32>
    %gather3A_170 = tpu.dynamic_gather %max3A_164[%gather3A_169] in [0] : vector<16xf32>, vector<16xi32> -> vector<16xf32>
    %max3A_171 = arith.maximumf %max3A_164, %gather3A_170 : vector<16xf32>
    %eq3A_172 = arith.cmpf oeq, %get3A_143, %max3A_171 : vector<16xf32>
    %jit3A_173 = arith.constant 16 : i32
    %broadcast_in_dim3A_174 = vector.broadcast %jit3A_173 : i32 to vector<16xi32>
    %select_n3A_175 = arith.select %eq3A_172, %iota3A, %broadcast_in_dim3A_174 : vector<16xi1>, vector<16xi32>
    %xor3A_176 = arith.constant 8 : i32
    %xor3A_177 = vector.broadcast %xor3A_176 : i32 to vector<16xi32>
    %xor3A_178 = arith.xori %iota3A, %xor3A_177 : vector<16xi32>
    %broadcast_in_dim3A_179 = vector.shape_cast %xor3A_178 : vector<16xi32> to vector<16x1xi32>
    %gather3A_180 = vector.shape_cast %broadcast_in_dim3A_179 : vector<16x1xi32> to vector<16xi32>
    %gather3A_181 = tpu.dynamic_gather %select_n3A_175[%gather3A_180] in [0] : vector<16xi32>, vector<16xi32> -> vector<16xi32>
    %min3A_182 = arith.minsi %select_n3A_175, %gather3A_181 : vector<16xi32>
    %xor3A_183 = arith.constant 4 : i32
    %xor3A_184 = vector.broadcast %xor3A_183 : i32 to vector<16xi32>
    %xor3A_185 = arith.xori %iota3A, %xor3A_184 : vector<16xi32>
    %broadcast_in_dim3A_186 = vector.shape_cast %xor3A_185 : vector<16xi32> to vector<16x1xi32>
    %gather3A_187 = vector.shape_cast %broadcast_in_dim3A_186 : vector<16x1xi32> to vector<16xi32>
    %gather3A_188 = tpu.dynamic_gather %min3A_182[%gather3A_187] in [0] : vector<16xi32>, vector<16xi32> -> vector<16xi32>
    %min3A_189 = arith.minsi %min3A_182, %gather3A_188 : vector<16xi32>
    %xor3A_190 = arith.constant 2 : i32
    %xor3A_191 = vector.broadcast %xor3A_190 : i32 to vector<16xi32>
    %xor3A_192 = arith.xori %iota3A, %xor3A_191 : vector<16xi32>
    %broadcast_in_dim3A_193 = vector.shape_cast %xor3A_192 : vector<16xi32> to vector<16x1xi32>
    %gather3A_194 = vector.shape_cast %broadcast_in_dim3A_193 : vector<16x1xi32> to vector<16xi32>
    %gather3A_195 = tpu.dynamic_gather %min3A_189[%gather3A_194] in [0] : vector<16xi32>, vector<16xi32> -> vector<16xi32>
    %min3A_196 = arith.minsi %min3A_189, %gather3A_195 : vector<16xi32>
    %xor3A_197 = arith.constant 1 : i32
    %xor3A_198 = vector.broadcast %xor3A_197 : i32 to vector<16xi32>
    %xor3A_199 = arith.xori %iota3A, %xor3A_198 : vector<16xi32>
    %broadcast_in_dim3A_200 = vector.shape_cast %xor3A_199 : vector<16xi32> to vector<16x1xi32>
    %gather3A_201 = vector.shape_cast %broadcast_in_dim3A_200 : vector<16x1xi32> to vector<16xi32>
    %gather3A_202 = tpu.dynamic_gather %min3A_196[%gather3A_201] in [0] : vector<16xi32>, vector<16xi32> -> vector<16xi32>
    %min3A_203 = arith.minsi %min3A_196, %gather3A_202 : vector<16xi32>
    %eq3A_204 = arith.cmpi eq, %iota3A, %min3A_203 : vector<16xi32>
    %jit3A_205 = arith.constant -3.40282347E+38 : f32
    %broadcast_in_dim3A_206 = vector.broadcast %jit3A_205 : f32 to vector<16xf32>
    %select_n3A_207 = arith.select %eq3A_204, %broadcast_in_dim3A_206, %get3A_143 : vector<16xi1>, vector<16xf32>
    %xor3A_208 = arith.constant 8 : i32
    %xor3A_209 = vector.broadcast %xor3A_208 : i32 to vector<16xi32>
    %xor3A_210 = arith.xori %iota3A, %xor3A_209 : vector<16xi32>
    %broadcast_in_dim3A_211 = vector.shape_cast %xor3A_210 : vector<16xi32> to vector<16x1xi32>
    %gather3A_212 = vector.shape_cast %broadcast_in_dim3A_211 : vector<16x1xi32> to vector<16xi32>
    %gather3A_213 = tpu.dynamic_gather %select_n3A_207[%gather3A_212] in [0] : vector<16xf32>, vector<16xi32> -> vector<16xf32>
    %max3A_214 = arith.maximumf %select_n3A_207, %gather3A_213 : vector<16xf32>
    %xor3A_215 = arith.constant 4 : i32
    %xor3A_216 = vector.broadcast %xor3A_215 : i32 to vector<16xi32>
    %xor3A_217 = arith.xori %iota3A, %xor3A_216 : vector<16xi32>
    %broadcast_in_dim3A_218 = vector.shape_cast %xor3A_217 : vector<16xi32> to vector<16x1xi32>
    %gather3A_219 = vector.shape_cast %broadcast_in_dim3A_218 : vector<16x1xi32> to vector<16xi32>
    %gather3A_220 = tpu.dynamic_gather %max3A_214[%gather3A_219] in [0] : vector<16xf32>, vector<16xi32> -> vector<16xf32>
    %max3A_221 = arith.maximumf %max3A_214, %gather3A_220 : vector<16xf32>
    %xor3A_222 = arith.constant 2 : i32
    %xor3A_223 = vector.broadcast %xor3A_222 : i32 to vector<16xi32>
    %xor3A_224 = arith.xori %iota3A, %xor3A_223 : vector<16xi32>
    %broadcast_in_dim3A_225 = vector.shape_cast %xor3A_224 : vector<16xi32> to vector<16x1xi32>
    %gather3A_226 = vector.shape_cast %broadcast_in_dim3A_225 : vector<16x1xi32> to vector<16xi32>
    %gather3A_227 = tpu.dynamic_gather %max3A_221[%gather3A_226] in [0] : vector<16xf32>, vector<16xi32> -> vector<16xf32>
    %max3A_228 = arith.maximumf %max3A_221, %gather3A_227 : vector<16xf32>
    %xor3A_229 = arith.constant 1 : i32
    %xor3A_230 = vector.broadcast %xor3A_229 : i32 to vector<16xi32>
    %xor3A_231 = arith.xori %iota3A, %xor3A_230 : vector<16xi32>
    %broadcast_in_dim3A_232 = vector.shape_cast %xor3A_231 : vector<16xi32> to vector<16x1xi32>
    %gather3A_233 = vector.shape_cast %broadcast_in_dim3A_232 : vector<16x1xi32> to vector<16xi32>
    %gather3A_234 = tpu.dynamic_gather %max3A_228[%gather3A_233] in [0] : vector<16xf32>, vector<16xi32> -> vector<16xf32>
    %max3A_235 = arith.maximumf %max3A_228, %gather3A_234 : vector<16xf32>
    %eq3A_236 = arith.cmpf oeq, %select_n3A_207, %max3A_235 : vector<16xf32>
    %jit3A_237 = arith.constant 16 : i32
    %broadcast_in_dim3A_238 = vector.broadcast %jit3A_237 : i32 to vector<16xi32>
    %select_n3A_239 = arith.select %eq3A_236, %iota3A, %broadcast_in_dim3A_238 : vector<16xi1>, vector<16xi32>
    %xor3A_240 = arith.constant 8 : i32
    %xor3A_241 = vector.broadcast %xor3A_240 : i32 to vector<16xi32>
    %xor3A_242 = arith.xori %iota3A, %xor3A_241 : vector<16xi32>
    %broadcast_in_dim3A_243 = vector.shape_cast %xor3A_242 : vector<16xi32> to vector<16x1xi32>
    %gather3A_244 = vector.shape_cast %broadcast_in_dim3A_243 : vector<16x1xi32> to vector<16xi32>
    %gather3A_245 = tpu.dynamic_gather %select_n3A_239[%gather3A_244] in [0] : vector<16xi32>, vector<16xi32> -> vector<16xi32>
    %min3A_246 = arith.minsi %select_n3A_239, %gather3A_245 : vector<16xi32>
    %xor3A_247 = arith.constant 4 : i32
    %xor3A_248 = vector.broadcast %xor3A_247 : i32 to vector<16xi32>
    %xor3A_249 = arith.xori %iota3A, %xor3A_248 : vector<16xi32>
    %broadcast_in_dim3A_250 = vector.shape_cast %xor3A_249 : vector<16xi32> to vector<16x1xi32>
    %gather3A_251 = vector.shape_cast %broadcast_in_dim3A_250 : vector<16x1xi32> to vector<16xi32>
    %gather3A_252 = tpu.dynamic_gather %min3A_246[%gather3A_251] in [0] : vector<16xi32>, vector<16xi32> -> vector<16xi32>
    %min3A_253 = arith.minsi %min3A_246, %gather3A_252 : vector<16xi32>
    %xor3A_254 = arith.constant 2 : i32
    %xor3A_255 = vector.broadcast %xor3A_254 : i32 to vector<16xi32>
    %xor3A_256 = arith.xori %iota3A, %xor3A_255 : vector<16xi32>
    %broadcast_in_dim3A_257 = vector.shape_cast %xor3A_256 : vector<16xi32> to vector<16x1xi32>
    %gather3A_258 = vector.shape_cast %broadcast_in_dim3A_257 : vector<16x1xi32> to vector<16xi32>
    %gather3A_259 = tpu.dynamic_gather %min3A_253[%gather3A_258] in [0] : vector<16xi32>, vector<16xi32> -> vector<16xi32>
    %min3A_260 = arith.minsi %min3A_253, %gather3A_259 : vector<16xi32>
    %xor3A_261 = arith.constant 1 : i32
    %xor3A_262 = vector.broadcast %xor3A_261 : i32 to vector<16xi32>
    %xor3A_263 = arith.xori %iota3A, %xor3A_262 : vector<16xi32>
    %broadcast_in_dim3A_264 = vector.shape_cast %xor3A_263 : vector<16xi32> to vector<16x1xi32>
    %gather3A_265 = vector.shape_cast %broadcast_in_dim3A_264 : vector<16x1xi32> to vector<16xi32>
    %gather3A_266 = tpu.dynamic_gather %min3A_260[%gather3A_265] in [0] : vector<16xi32>, vector<16xi32> -> vector<16xi32>
    %min3A_267 = arith.minsi %min3A_260, %gather3A_266 : vector<16xi32>
    %eq3A_268 = arith.cmpi eq, %iota3A, %min3A_267 : vector<16xi32>
    %sub3A_269 = arith.subf %max3A_235, %max3A_171 : vector<16xf32>
    %exp3A_270 = math.exp %sub3A_269 : vector<16xf32>
    %add3A_271 = arith.constant 1.000000e+00 : f32
    %add3A_272 = vector.broadcast %add3A_271 : f32 to vector<16xf32>
    %add3A_273 = arith.addf %add3A_272, %exp3A_270 : vector<16xf32>
    %div3A_274 = arith.constant 1.000000e+00 : f32
    %div3A_275 = vector.broadcast %div3A_274 : f32 to vector<16xf32>
    %div3A_276 = arith.divf %div3A_275, %add3A_273 : vector<16xf32>
    %add3A_277 = arith.constant 1.000000e+00 : f32
    %add3A_278 = vector.broadcast %add3A_277 : f32 to vector<16xf32>
    %add3A_279 = arith.addf %add3A_278, %exp3A_270 : vector<16xf32>
    %div3A_280 = arith.divf %exp3A_270, %add3A_279 : vector<16xf32>
    %jit3A_281 = arith.constant 0.000000e+00 : f32
    %broadcast_in_dim3A_282 = vector.broadcast %jit3A_281 : f32 to vector<16xf32>
    %select_n3A_283 = arith.select %eq3A_268, %div3A_280, %broadcast_in_dim3A_282 : vector<16xi1>, vector<16xf32>
    %select_n3A_284 = arith.select %eq3A_204, %div3A_276, %select_n3A_283 : vector<16xi1>, vector<16xf32>
    %swap3A_285 = arith.constant 1 : i32
    %swap3A_286 = arith.index_cast %swap3A_285 : i32 to index
    %swap3A_287 = arith.constant 0 : index
    %swap3A_288 = tpu.vector_load %arg5[%swap3A_286, %swap3A_287] {strides = array<i32>} : memref<4x16xf32, #tpu.memory_space<vmem>>, vector<1x16xf32>,
    %swap3A_289 = vector.shape_cast %swap3A_288 : vector<1x16xf32> to vector<16xf32>
    %swap3A_290 = vector.shape_cast %select_n3A_284 : vector<16xf32> to vector<1x16xf32>
    tpu.vector_store %arg5[%swap3A_286, %swap3A_287], %swap3A_290 {strides = array<i32>} : memref<4x16xf32, #tpu.memory_space<vmem>>, vector<1x16xf32>,
    %get3A_291 = arith.constant 2 : i32
    %get3A_292 = arith.index_cast %get3A_291 : i32 to index
    %get3A_293 = arith.constant 0 : index
    %get3A_294 = tpu.vector_load %arg4[%get3A_292, %get3A_293] {strides = array<i32>} : memref<4x16xf32, #tpu.memory_space<vmem>>, vector<1x16xf32>,
    %get3A_295 = vector.shape_cast %get3A_294 : vector<1x16xf32> to vector<16xf32>
    %xor3A_296 = arith.constant 8 : i32
    %xor3A_297 = vector.broadcast %xor3A_296 : i32 to vector<16xi32>
    %xor3A_298 = arith.xori %iota3A, %xor3A_297 : vector<16xi32>
    %broadcast_in_dim3A_299 = vector.shape_cast %xor3A_298 : vector<16xi32> to vector<16x1xi32>
    %gather3A_300 = vector.shape_cast %broadcast_in_dim3A_299 : vector<16x1xi32> to vector<16xi32>
    %gather3A_301 = tpu.dynamic_gather %get3A_295[%gather3A_300] in [0] : vector<16xf32>, vector<16xi32> -> vector<16xf32>
    %max3A_302 = arith.maximumf %get3A_295, %gather3A_301 : vector<16xf32>
    %xor3A_303 = arith.constant 4 : i32
    %xor3A_304 = vector.broadcast %xor3A_303 : i32 to vector<16xi32>
    %xor3A_305 = arith.xori %iota3A, %xor3A_304 : vector<16xi32>
    %broadcast_in_dim3A_306 = vector.shape_cast %xor3A_305 : vector<16xi32> to vector<16x1xi32>
    %gather3A_307 = vector.shape_cast %broadcast_in_dim3A_306 : vector<16x1xi32> to vector<16xi32>
    %gather3A_308 = tpu.dynamic_gather %max3A_302[%gather3A_307] in [0] : vector<16xf32>, vector<16xi32> -> vector<16xf32>
    %max3A_309 = arith.maximumf %max3A_302, %gather3A_308 : vector<16xf32>
    %xor3A_310 = arith.constant 2 : i32
    %xor3A_311 = vector.broadcast %xor3A_310 : i32 to vector<16xi32>
    %xor3A_312 = arith.xori %iota3A, %xor3A_311 : vector<16xi32>
    %broadcast_in_dim3A_313 = vector.shape_cast %xor3A_312 : vector<16xi32> to vector<16x1xi32>
    %gather3A_314 = vector.shape_cast %broadcast_in_dim3A_313 : vector<16x1xi32> to vector<16xi32>
    %gather3A_315 = tpu.dynamic_gather %max3A_309[%gather3A_314] in [0] : vector<16xf32>, vector<16xi32> -> vector<16xf32>
    %max3A_316 = arith.maximumf %max3A_309, %gather3A_315 : vector<16xf32>
    %xor3A_317 = arith.constant 1 : i32
    %xor3A_318 = vector.broadcast %xor3A_317 : i32 to vector<16xi32>
    %xor3A_319 = arith.xori %iota3A, %xor3A_318 : vector<16xi32>
    %broadcast_in_dim3A_320 = vector.shape_cast %xor3A_319 : vector<16xi32> to vector<16x1xi32>
    %gather3A_321 = vector.shape_cast %broadcast_in_dim3A_320 : vector<16x1xi32> to vector<16xi32>
    %gather3A_322 = tpu.dynamic_gather %max3A_316[%gather3A_321] in [0] : vector<16xf32>, vector<16xi32> -> vector<16xf32>
    %max3A_323 = arith.maximumf %max3A_316, %gather3A_322 : vector<16xf32>
    %eq3A_324 = arith.cmpf oeq, %get3A_295, %max3A_323 : vector<16xf32>
    %jit3A_325 = arith.constant 16 : i32
    %broadcast_in_dim3A_326 = vector.broadcast %jit3A_325 : i32 to vector<16xi32>
    %select_n3A_327 = arith.select %eq3A_324, %iota3A, %broadcast_in_dim3A_326 : vector<16xi1>, vector<16xi32>
    %xor3A_328 = arith.constant 8 : i32
    %xor3A_329 = vector.broadcast %xor3A_328 : i32 to vector<16xi32>
    %xor3A_330 = arith.xori %iota3A, %xor3A_329 : vector<16xi32>
    %broadcast_in_dim3A_331 = vector.shape_cast %xor3A_330 : vector<16xi32> to vector<16x1xi32>
    %gather3A_332 = vector.shape_cast %broadcast_in_dim3A_331 : vector<16x1xi32> to vector<16xi32>
    %gather3A_333 = tpu.dynamic_gather %select_n3A_327[%gather3A_332] in [0] : vector<16xi32>, vector<16xi32> -> vector<16xi32>
    %min3A_334 = arith.minsi %select_n3A_327, %gather3A_333 : vector<16xi32>
    %xor3A_335 = arith.constant 4 : i32
    %xor3A_336 = vector.broadcast %xor3A_335 : i32 to vector<16xi32>
    %xor3A_337 = arith.xori %iota3A, %xor3A_336 : vector<16xi32>
    %broadcast_in_dim3A_338 = vector.shape_cast %xor3A_337 : vector<16xi32> to vector<16x1xi32>
    %gather3A_339 = vector.shape_cast %broadcast_in_dim3A_338 : vector<16x1xi32> to vector<16xi32>
    %gather3A_340 = tpu.dynamic_gather %min3A_334[%gather3A_339] in [0] : vector<16xi32>, vector<16xi32> -> vector<16xi32>
    %min3A_341 = arith.minsi %min3A_334, %gather3A_340 : vector<16xi32>
    %xor3A_342 = arith.constant 2 : i32
    %xor3A_343 = vector.broadcast %xor3A_342 : i32 to vector<16xi32>
    %xor3A_344 = arith.xori %iota3A, %xor3A_343 : vector<16xi32>
    %broadcast_in_dim3A_345 = vector.shape_cast %xor3A_344 : vector<16xi32> to vector<16x1xi32>
    %gather3A_346 = vector.shape_cast %broadcast_in_dim3A_345 : vector<16x1xi32> to vector<16xi32>
    %gather3A_347 = tpu.dynamic_gather %min3A_341[%gather3A_346] in [0] : vector<16xi32>, vector<16xi32> -> vector<16xi32>
    %min3A_348 = arith.minsi %min3A_341, %gather3A_347 : vector<16xi32>
    %xor3A_349 = arith.constant 1 : i32
    %xor3A_350 = vector.broadcast %xor3A_349 : i32 to vector<16xi32>
    %xor3A_351 = arith.xori %iota3A, %xor3A_350 : vector<16xi32>
    %broadcast_in_dim3A_352 = vector.shape_cast %xor3A_351 : vector<16xi32> to vector<16x1xi32>
    %gather3A_353 = vector.shape_cast %broadcast_in_dim3A_352 : vector<16x1xi32> to vector<16xi32>
    %gather3A_354 = tpu.dynamic_gather %min3A_348[%gather3A_353] in [0] : vector<16xi32>, vector<16xi32> -> vector<16xi32>
    %min3A_355 = arith.minsi %min3A_348, %gather3A_354 : vector<16xi32>
    %eq3A_356 = arith.cmpi eq, %iota3A, %min3A_355 : vector<16xi32>
    %jit3A_357 = arith.constant -3.40282347E+38 : f32
    %broadcast_in_dim3A_358 = vector.broadcast %jit3A_357 : f32 to vector<16xf32>
    %select_n3A_359 = arith.select %eq3A_356, %broadcast_in_dim3A_358, %get3A_295 : vector<16xi1>, vector<16xf32>
    %xor3A_360 = arith.constant 8 : i32
    %xor3A_361 = vector.broadcast %xor3A_360 : i32 to vector<16xi32>
    %xor3A_362 = arith.xori %iota3A, %xor3A_361 : vector<16xi32>
    %broadcast_in_dim3A_363 = vector.shape_cast %xor3A_362 : vector<16xi32> to vector<16x1xi32>
    %gather3A_364 = vector.shape_cast %broadcast_in_dim3A_363 : vector<16x1xi32> to vector<16xi32>
    %gather3A_365 = tpu.dynamic_gather %select_n3A_359[%gather3A_364] in [0] : vector<16xf32>, vector<16xi32> -> vector<16xf32>
    %max3A_366 = arith.maximumf %select_n3A_359, %gather3A_365 : vector<16xf32>
    %xor3A_367 = arith.constant 4 : i32
    %xor3A_368 = vector.broadcast %xor3A_367 : i32 to vector<16xi32>
    %xor3A_369 = arith.xori %iota3A, %xor3A_368 : vector<16xi32>
    %broadcast_in_dim3A_370 = vector.shape_cast %xor3A_369 : vector<16xi32> to vector<16x1xi32>
    %gather3A_371 = vector.shape_cast %broadcast_in_dim3A_370 : vector<16x1xi32> to vector<16xi32>
    %gather3A_372 = tpu.dynamic_gather %max3A_366[%gather3A_371] in [0] : vector<16xf32>, vector<16xi32> -> vector<16xf32>
    %max3A_373 = arith.maximumf %max3A_366, %gather3A_372 : vector<16xf32>
    %xor3A_374 = arith.constant 2 : i32
    %xor3A_375 = vector.broadcast %xor3A_374 : i32 to vector<16xi32>
    %xor3A_376 = arith.xori %iota3A, %xor3A_375 : vector<16xi32>
    %broadcast_in_dim3A_377 = vector.shape_cast %xor3A_376 : vector<16xi32> to vector<16x1xi32>
    %gather3A_378 = vector.shape_cast %broadcast_in_dim3A_377 : vector<16x1xi32> to vector<16xi32>
    %gather3A_379 = tpu.dynamic_gather %max3A_373[%gather3A_378] in [0] : vector<16xf32>, vector<16xi32> -> vector<16xf32>
    %max3A_380 = arith.maximumf %max3A_373, %gather3A_379 : vector<16xf32>
    %xor3A_381 = arith.constant 1 : i32
    %xor3A_382 = vector.broadcast %xor3A_381 : i32 to vector<16xi32>
    %xor3A_383 = arith.xori %iota3A, %xor3A_382 : vector<16xi32>
    %broadcast_in_dim3A_384 = vector.shape_cast %xor3A_383 : vector<16xi32> to vector<16x1xi32>
    %gather3A_385 = vector.shape_cast %broadcast_in_dim3A_384 : vector<16x1xi32> to vector<16xi32>
    %gather3A_386 = tpu.dynamic_gather %max3A_380[%gather3A_385] in [0] : vector<16xf32>, vector<16xi32> -> vector<16xf32>
    %max3A_387 = arith.maximumf %max3A_380, %gather3A_386 : vector<16xf32>
    %eq3A_388 = arith.cmpf oeq, %select_n3A_359, %max3A_387 : vector<16xf32>
    %jit3A_389 = arith.constant 16 : i32
    %broadcast_in_dim3A_390 = vector.broadcast %jit3A_389 : i32 to vector<16xi32>
    %select_n3A_391 = arith.select %eq3A_388, %iota3A, %broadcast_in_dim3A_390 : vector<16xi1>, vector<16xi32>
    %xor3A_392 = arith.constant 8 : i32
    %xor3A_393 = vector.broadcast %xor3A_392 : i32 to vector<16xi32>
    %xor3A_394 = arith.xori %iota3A, %xor3A_393 : vector<16xi32>
    %broadcast_in_dim3A_395 = vector.shape_cast %xor3A_394 : vector<16xi32> to vector<16x1xi32>
    %gather3A_396 = vector.shape_cast %broadcast_in_dim3A_395 : vector<16x1xi32> to vector<16xi32>
    %gather3A_397 = tpu.dynamic_gather %select_n3A_391[%gather3A_396] in [0] : vector<16xi32>, vector<16xi32> -> vector<16xi32>
    %min3A_398 = arith.minsi %select_n3A_391, %gather3A_397 : vector<16xi32>
    %xor3A_399 = arith.constant 4 : i32
    %xor3A_400 = vector.broadcast %xor3A_399 : i32 to vector<16xi32>
    %xor3A_401 = arith.xori %iota3A, %xor3A_400 : vector<16xi32>
    %broadcast_in_dim3A_402 = vector.shape_cast %xor3A_401 : vector<16xi32> to vector<16x1xi32>
    %gather3A_403 = vector.shape_cast %broadcast_in_dim3A_402 : vector<16x1xi32> to vector<16xi32>
    %gather3A_404 = tpu.dynamic_gather %min3A_398[%gather3A_403] in [0] : vector<16xi32>, vector<16xi32> -> vector<16xi32>
    %min3A_405 = arith.minsi %min3A_398, %gather3A_404 : vector<16xi32>
    %xor3A_406 = arith.constant 2 : i32
    %xor3A_407 = vector.broadcast %xor3A_406 : i32 to vector<16xi32>
    %xor3A_408 = arith.xori %iota3A, %xor3A_407 : vector<16xi32>
    %broadcast_in_dim3A_409 = vector.shape_cast %xor3A_408 : vector<16xi32> to vector<16x1xi32>
    %gather3A_410 = vector.shape_cast %broadcast_in_dim3A_409 : vector<16x1xi32> to vector<16xi32>
    %gather3A_411 = tpu.dynamic_gather %min3A_405[%gather3A_410] in [0] : vector<16xi32>, vector<16xi32> -> vector<16xi32>
    %min3A_412 = arith.minsi %min3A_405, %gather3A_411 : vector<16xi32>
    %xor3A_413 = arith.constant 1 : i32
    %xor3A_414 = vector.broadcast %xor3A_413 : i32 to vector<16xi32>
    %xor3A_415 = arith.xori %iota3A, %xor3A_414 : vector<16xi32>
    %broadcast_in_dim3A_416 = vector.shape_cast %xor3A_415 : vector<16xi32> to vector<16x1xi32>
    %gather3A_417 = vector.shape_cast %broadcast_in_dim3A_416 : vector<16x1xi32> to vector<16xi32>
    %gather3A_418 = tpu.dynamic_gather %min3A_412[%gather3A_417] in [0] : vector<16xi32>, vector<16xi32> -> vector<16xi32>
    %min3A_419 = arith.minsi %min3A_412, %gather3A_418 : vector<16xi32>
    %eq3A_420 = arith.cmpi eq, %iota3A, %min3A_419 : vector<16xi32>
    %sub3A_421 = arith.subf %max3A_387, %max3A_323 : vector<16xf32>
    %exp3A_422 = math.exp %sub3A_421 : vector<16xf32>
    %add3A_423 = arith.constant 1.000000e+00 : f32
    %add3A_424 = vector.broadcast %add3A_423 : f32 to vector<16xf32>
    %add3A_425 = arith.addf %add3A_424, %exp3A_422 : vector<16xf32>
    %div3A_426 = arith.constant 1.000000e+00 : f32
    %div3A_427 = vector.broadcast %div3A_426 : f32 to vector<16xf32>
    %div3A_428 = arith.divf %div3A_427, %add3A_425 : vector<16xf32>
    %add3A_429 = arith.constant 1.000000e+00 : f32
    %add3A_430 = vector.broadcast %add3A_429 : f32 to vector<16xf32>
    %add3A_431 = arith.addf %add3A_430, %exp3A_422 : vector<16xf32>
    %div3A_432 = arith.divf %exp3A_422, %add3A_431 : vector<16xf32>
    %jit3A_433 = arith.constant 0.000000e+00 : f32
    %broadcast_in_dim3A_434 = vector.broadcast %jit3A_433 : f32 to vector<16xf32>
    %select_n3A_435 = arith.select %eq3A_420, %div3A_432, %broadcast_in_dim3A_434 : vector<16xi1>, vector<16xf32>
    %select_n3A_436 = arith.select %eq3A_356, %div3A_428, %select_n3A_435 : vector<16xi1>, vector<16xf32>
    %swap3A_437 = arith.constant 2 : i32
    %swap3A_438 = arith.index_cast %swap3A_437 : i32 to index
    %swap3A_439 = arith.constant 0 : index
    %swap3A_440 = tpu.vector_load %arg5[%swap3A_438, %swap3A_439] {strides = array<i32>} : memref<4x16xf32, #tpu.memory_space<vmem>>, vector<1x16xf32>,
    %swap3A_441 = vector.shape_cast %swap3A_440 : vector<1x16xf32> to vector<16xf32>
    %swap3A_442 = vector.shape_cast %select_n3A_436 : vector<16xf32> to vector<1x16xf32>
    tpu.vector_store %arg5[%swap3A_438, %swap3A_439], %swap3A_442 {strides = array<i32>} : memref<4x16xf32, #tpu.memory_space<vmem>>, vector<1x16xf32>,
    %get3A_443 = arith.constant 3 : i32
    %get3A_444 = arith.index_cast %get3A_443 : i32 to index
    %get3A_445 = arith.constant 0 : index
    %get3A_446 = tpu.vector_load %arg4[%get3A_444, %get3A_445] {strides = array<i32>} : memref<4x16xf32, #tpu.memory_space<vmem>>, vector<1x16xf32>,
    %get3A_447 = vector.shape_cast %get3A_446 : vector<1x16xf32> to vector<16xf32>
    %xor3A_448 = arith.constant 8 : i32
    %xor3A_449 = vector.broadcast %xor3A_448 : i32 to vector<16xi32>
    %xor3A_450 = arith.xori %iota3A, %xor3A_449 : vector<16xi32>
    %broadcast_in_dim3A_451 = vector.shape_cast %xor3A_450 : vector<16xi32> to vector<16x1xi32>
    %gather3A_452 = vector.shape_cast %broadcast_in_dim3A_451 : vector<16x1xi32> to vector<16xi32>
    %gather3A_453 = tpu.dynamic_gather %get3A_447[%gather3A_452] in [0] : vector<16xf32>, vector<16xi32> -> vector<16xf32>
    %max3A_454 = arith.maximumf %get3A_447, %gather3A_453 : vector<16xf32>
    %xor3A_455 = arith.constant 4 : i32
    %xor3A_456 = vector.broadcast %xor3A_455 : i32 to vector<16xi32>
    %xor3A_457 = arith.xori %iota3A, %xor3A_456 : vector<16xi32>
    %broadcast_in_dim3A_458 = vector.shape_cast %xor3A_457 : vector<16xi32> to vector<16x1xi32>
    %gather3A_459 = vector.shape_cast %broadcast_in_dim3A_458 : vector<16x1xi32> to vector<16xi32>
    %gather3A_460 = tpu.dynamic_gather %max3A_454[%gather3A_459] in [0] : vector<16xf32>, vector<16xi32> -> vector<16xf32>
    %max3A_461 = arith.maximumf %max3A_454, %gather3A_460 : vector<16xf32>
    %xor3A_462 = arith.constant 2 : i32
    %xor3A_463 = vector.broadcast %xor3A_462 : i32 to vector<16xi32>
    %xor3A_464 = arith.xori %iota3A, %xor3A_463 : vector<16xi32>
    %broadcast_in_dim3A_465 = vector.shape_cast %xor3A_464 : vector<16xi32> to vector<16x1xi32>
    %gather3A_466 = vector.shape_cast %broadcast_in_dim3A_465 : vector<16x1xi32> to vector<16xi32>
    %gather3A_467 = tpu.dynamic_gather %max3A_461[%gather3A_466] in [0] : vector<16xf32>, vector<16xi32> -> vector<16xf32>
    %max3A_468 = arith.maximumf %max3A_461, %gather3A_467 : vector<16xf32>
    %xor3A_469 = arith.constant 1 : i32
    %xor3A_470 = vector.broadcast %xor3A_469 : i32 to vector<16xi32>
    %xor3A_471 = arith.xori %iota3A, %xor3A_470 : vector<16xi32>
    %broadcast_in_dim3A_472 = vector.shape_cast %xor3A_471 : vector<16xi32> to vector<16x1xi32>
    %gather3A_473 = vector.shape_cast %broadcast_in_dim3A_472 : vector<16x1xi32> to vector<16xi32>
    %gather3A_474 = tpu.dynamic_gather %max3A_468[%gather3A_473] in [0] : vector<16xf32>, vector<16xi32> -> vector<16xf32>
    %max3A_475 = arith.maximumf %max3A_468, %gather3A_474 : vector<16xf32>
    %eq3A_476 = arith.cmpf oeq, %get3A_447, %max3A_475 : vector<16xf32>
    %jit3A_477 = arith.constant 16 : i32
    %broadcast_in_dim3A_478 = vector.broadcast %jit3A_477 : i32 to vector<16xi32>
    %select_n3A_479 = arith.select %eq3A_476, %iota3A, %broadcast_in_dim3A_478 : vector<16xi1>, vector<16xi32>
    %xor3A_480 = arith.constant 8 : i32
    %xor3A_481 = vector.broadcast %xor3A_480 : i32 to vector<16xi32>
    %xor3A_482 = arith.xori %iota3A, %xor3A_481 : vector<16xi32>
    %broadcast_in_dim3A_483 = vector.shape_cast %xor3A_482 : vector<16xi32> to vector<16x1xi32>
    %gather3A_484 = vector.shape_cast %broadcast_in_dim3A_483 : vector<16x1xi32> to vector<16xi32>
    %gather3A_485 = tpu.dynamic_gather %select_n3A_479[%gather3A_484] in [0] : vector<16xi32>, vector<16xi32> -> vector<16xi32>
    %min3A_486 = arith.minsi %select_n3A_479, %gather3A_485 : vector<16xi32>
    %xor3A_487 = arith.constant 4 : i32
    %xor3A_488 = vector.broadcast %xor3A_487 : i32 to vector<16xi32>
    %xor3A_489 = arith.xori %iota3A, %xor3A_488 : vector<16xi32>
    %broadcast_in_dim3A_490 = vector.shape_cast %xor3A_489 : vector<16xi32> to vector<16x1xi32>
    %gather3A_491 = vector.shape_cast %broadcast_in_dim3A_490 : vector<16x1xi32> to vector<16xi32>
    %gather3A_492 = tpu.dynamic_gather %min3A_486[%gather3A_491] in [0] : vector<16xi32>, vector<16xi32> -> vector<16xi32>
    %min3A_493 = arith.minsi %min3A_486, %gather3A_492 : vector<16xi32>
    %xor3A_494 = arith.constant 2 : i32
    %xor3A_495 = vector.broadcast %xor3A_494 : i32 to vector<16xi32>
    %xor3A_496 = arith.xori %iota3A, %xor3A_495 : vector<16xi32>
    %broadcast_in_dim3A_497 = vector.shape_cast %xor3A_496 : vector<16xi32> to vector<16x1xi32>
    %gather3A_498 = vector.shape_cast %broadcast_in_dim3A_497 : vector<16x1xi32> to vector<16xi32>
    %gather3A_499 = tpu.dynamic_gather %min3A_493[%gather3A_498] in [0] : vector<16xi32>, vector<16xi32> -> vector<16xi32>
    %min3A_500 = arith.minsi %min3A_493, %gather3A_499 : vector<16xi32>
    %xor3A_501 = arith.constant 1 : i32
    %xor3A_502 = vector.broadcast %xor3A_501 : i32 to vector<16xi32>
    %xor3A_503 = arith.xori %iota3A, %xor3A_502 : vector<16xi32>
    %broadcast_in_dim3A_504 = vector.shape_cast %xor3A_503 : vector<16xi32> to vector<16x1xi32>
    %gather3A_505 = vector.shape_cast %broadcast_in_dim3A_504 : vector<16x1xi32> to vector<16xi32>
    %gather3A_506 = tpu.dynamic_gather %min3A_500[%gather3A_505] in [0] : vector<16xi32>, vector<16xi32> -> vector<16xi32>
    %min3A_507 = arith.minsi %min3A_500, %gather3A_506 : vector<16xi32>
    %eq3A_508 = arith.cmpi eq, %iota3A, %min3A_507 : vector<16xi32>
    %jit3A_509 = arith.constant -3.40282347E+38 : f32
    %broadcast_in_dim3A_510 = vector.broadcast %jit3A_509 : f32 to vector<16xf32>
    %select_n3A_511 = arith.select %eq3A_508, %broadcast_in_dim3A_510, %get3A_447 : vector<16xi1>, vector<16xf32>
    %xor3A_512 = arith.constant 8 : i32
    %xor3A_513 = vector.broadcast %xor3A_512 : i32 to vector<16xi32>
    %xor3A_514 = arith.xori %iota3A, %xor3A_513 : vector<16xi32>
    %broadcast_in_dim3A_515 = vector.shape_cast %xor3A_514 : vector<16xi32> to vector<16x1xi32>
    %gather3A_516 = vector.shape_cast %broadcast_in_dim3A_515 : vector<16x1xi32> to vector<16xi32>
    %gather3A_517 = tpu.dynamic_gather %select_n3A_511[%gather3A_516] in [0] : vector<16xf32>, vector<16xi32> -> vector<16xf32>
    %max3A_518 = arith.maximumf %select_n3A_511, %gather3A_517 : vector<16xf32>
    %xor3A_519 = arith.constant 4 : i32
    %xor3A_520 = vector.broadcast %xor3A_519 : i32 to vector<16xi32>
    %xor3A_521 = arith.xori %iota3A, %xor3A_520 : vector<16xi32>
    %broadcast_in_dim3A_522 = vector.shape_cast %xor3A_521 : vector<16xi32> to vector<16x1xi32>
    %gather3A_523 = vector.shape_cast %broadcast_in_dim3A_522 : vector<16x1xi32> to vector<16xi32>
    %gather3A_524 = tpu.dynamic_gather %max3A_518[%gather3A_523] in [0] : vector<16xf32>, vector<16xi32> -> vector<16xf32>
    %max3A_525 = arith.maximumf %max3A_518, %gather3A_524 : vector<16xf32>
    %xor3A_526 = arith.constant 2 : i32
    %xor3A_527 = vector.broadcast %xor3A_526 : i32 to vector<16xi32>
    %xor3A_528 = arith.xori %iota3A, %xor3A_527 : vector<16xi32>
    %broadcast_in_dim3A_529 = vector.shape_cast %xor3A_528 : vector<16xi32> to vector<16x1xi32>
    %gather3A_530 = vector.shape_cast %broadcast_in_dim3A_529 : vector<16x1xi32> to vector<16xi32>
    %gather3A_531 = tpu.dynamic_gather %max3A_525[%gather3A_530] in [0] : vector<16xf32>, vector<16xi32> -> vector<16xf32>
    %max3A_532 = arith.maximumf %max3A_525, %gather3A_531 : vector<16xf32>
    %xor3A_533 = arith.constant 1 : i32
    %xor3A_534 = vector.broadcast %xor3A_533 : i32 to vector<16xi32>
    %xor3A_535 = arith.xori %iota3A, %xor3A_534 : vector<16xi32>
    %broadcast_in_dim3A_536 = vector.shape_cast %xor3A_535 : vector<16xi32> to vector<16x1xi32>
    %gather3A_537 = vector.shape_cast %broadcast_in_dim3A_536 : vector<16x1xi32> to vector<16xi32>
    %gather3A_538 = tpu.dynamic_gather %max3A_532[%gather3A_537] in [0] : vector<16xf32>, vector<16xi32> -> vector<16xf32>
    %max3A_539 = arith.maximumf %max3A_532, %gather3A_538 : vector<16xf32>
    %eq3A_540 = arith.cmpf oeq, %select_n3A_511, %max3A_539 : vector<16xf32>
    %jit3A_541 = arith.constant 16 : i32
    %broadcast_in_dim3A_542 = vector.broadcast %jit3A_541 : i32 to vector<16xi32>
    %select_n3A_543 = arith.select %eq3A_540, %iota3A, %broadcast_in_dim3A_542 : vector<16xi1>, vector<16xi32>
    %xor3A_544 = arith.constant 8 : i32
    %xor3A_545 = vector.broadcast %xor3A_544 : i32 to vector<16xi32>
    %xor3A_546 = arith.xori %iota3A, %xor3A_545 : vector<16xi32>
    %broadcast_in_dim3A_547 = vector.shape_cast %xor3A_546 : vector<16xi32> to vector<16x1xi32>
    %gather3A_548 = vector.shape_cast %broadcast_in_dim3A_547 : vector<16x1xi32> to vector<16xi32>
    %gather3A_549 = tpu.dynamic_gather %select_n3A_543[%gather3A_548] in [0] : vector<16xi32>, vector<16xi32> -> vector<16xi32>
    %min3A_550 = arith.minsi %select_n3A_543, %gather3A_549 : vector<16xi32>
    %xor3A_551 = arith.constant 4 : i32
    %xor3A_552 = vector.broadcast %xor3A_551 : i32 to vector<16xi32>
    %xor3A_553 = arith.xori %iota3A, %xor3A_552 : vector<16xi32>
    %broadcast_in_dim3A_554 = vector.shape_cast %xor3A_553 : vector<16xi32> to vector<16x1xi32>
    %gather3A_555 = vector.shape_cast %broadcast_in_dim3A_554 : vector<16x1xi32> to vector<16xi32>
    %gather3A_556 = tpu.dynamic_gather %min3A_550[%gather3A_555] in [0] : vector<16xi32>, vector<16xi32> -> vector<16xi32>
    %min3A_557 = arith.minsi %min3A_550, %gather3A_556 : vector<16xi32>
    %xor3A_558 = arith.constant 2 : i32
    %xor3A_559 = vector.broadcast %xor3A_558 : i32 to vector<16xi32>
    %xor3A_560 = arith.xori %iota3A, %xor3A_559 : vector<16xi32>
    %broadcast_in_dim3A_561 = vector.shape_cast %xor3A_560 : vector<16xi32> to vector<16x1xi32>
    %gather3A_562 = vector.shape_cast %broadcast_in_dim3A_561 : vector<16x1xi32> to vector<16xi32>
    %gather3A_563 = tpu.dynamic_gather %min3A_557[%gather3A_562] in [0] : vector<16xi32>, vector<16xi32> -> vector<16xi32>
    %min3A_564 = arith.minsi %min3A_557, %gather3A_563 : vector<16xi32>
    %xor3A_565 = arith.constant 1 : i32
    %xor3A_566 = vector.broadcast %xor3A_565 : i32 to vector<16xi32>
    %xor3A_567 = arith.xori %iota3A, %xor3A_566 : vector<16xi32>
    %broadcast_in_dim3A_568 = vector.shape_cast %xor3A_567 : vector<16xi32> to vector<16x1xi32>
    %gather3A_569 = vector.shape_cast %broadcast_in_dim3A_568 : vector<16x1xi32> to vector<16xi32>
    %gather3A_570 = tpu.dynamic_gather %min3A_564[%gather3A_569] in [0] : vector<16xi32>, vector<16xi32> -> vector<16xi32>
    %min3A_571 = arith.minsi %min3A_564, %gather3A_570 : vector<16xi32>
    %eq3A_572 = arith.cmpi eq, %iota3A, %min3A_571 : vector<16xi32>
    %sub3A_573 = arith.subf %max3A_539, %max3A_475 : vector<16xf32>
    %exp3A_574 = math.exp %sub3A_573 : vector<16xf32>
    %add3A_575 = arith.constant 1.000000e+00 : f32
    %add3A_576 = vector.broadcast %add3A_575 : f32 to vector<16xf32>
    %add3A_577 = arith.addf %add3A_576, %exp3A_574 : vector<16xf32>
    %div3A_578 = arith.constant 1.000000e+00 : f32
    %div3A_579 = vector.broadcast %div3A_578 : f32 to vector<16xf32>
    %div3A_580 = arith.divf %div3A_579, %add3A_577 : vector<16xf32>
    %add3A_581 = arith.constant 1.000000e+00 : f32
    %add3A_582 = vector.broadcast %add3A_581 : f32 to vector<16xf32>
    %add3A_583 = arith.addf %add3A_582, %exp3A_574 : vector<16xf32>
    %div3A_584 = arith.divf %exp3A_574, %add3A_583 : vector<16xf32>
    %jit3A_585 = arith.constant 0.000000e+00 : f32
    %broadcast_in_dim3A_586 = vector.broadcast %jit3A_585 : f32 to vector<16xf32>
    %select_n3A_587 = arith.select %eq3A_572, %div3A_584, %broadcast_in_dim3A_586 : vector<16xi1>, vector<16xf32>
    %select_n3A_588 = arith.select %eq3A_508, %div3A_580, %select_n3A_587 : vector<16xi1>, vector<16xf32>
    %swap3A_589 = arith.constant 3 : i32
    %swap3A_590 = arith.index_cast %swap3A_589 : i32 to index
    %swap3A_591 = arith.constant 0 : index
    %swap3A_592 = tpu.vector_load %arg5[%swap3A_590, %swap3A_591] {strides = array<i32>} : memref<4x16xf32, #tpu.memory_space<vmem>>, vector<1x16xf32>,
    %swap3A_593 = vector.shape_cast %swap3A_592 : vector<1x16xf32> to vector<16xf32>
    %swap3A_594 = vector.shape_cast %select_n3A_588 : vector<16xf32> to vector<1x16xf32>
    tpu.vector_store %arg5[%swap3A_590, %swap3A_591], %swap3A_594 {strides = array<i32>} : memref<4x16xf32, #tpu.memory_space<vmem>>, vector<1x16xf32>,
    "tpu.region"() ({
      %run_scoped3A = tpu.sem_alloc : memref<!tpu.dma_semaphore, #tpu.memory_space<semaphore_mem>>
      %dma_start3A = arith.constant 0 : i32
      %dma_start3A_595 = tpu.memref_slice %arg3[%mul3A_0, %dma_start3A] : memref<64x16xf32, #tpu.memory_space<hbm>> -> memref<4x16xf32, #tpu.memory_space<hbm>>
      %dma_start3A_596 = arith.constant 0 : i32
      %dma_start3A_597 = tpu.memref_slice %arg3[%mul3A_0, %dma_start3A_596] : memref<64x16xf32, #tpu.memory_space<hbm>> -> memref<4x16xf32, #tpu.memory_space<hbm>>
      tpu.enqueue_dma source(%arg5 : memref<4x16xf32, #tpu.memory_space<vmem>>) target(%dma_start3A_597 : memref<4x16xf32, #tpu.memory_space<hbm>>) target_semaphore(%run_scoped3A : memref<!tpu.dma_semaphore, #tpu.memory_space<semaphore_mem>>)
      %dma_wait3A = arith.constant 0 : i32
      %dma_wait3A_598 = tpu.memref_slice %arg3[%mul3A_0, %dma_wait3A] : memref<64x16xf32, #tpu.memory_space<hbm>> -> memref<4x16xf32, #tpu.memory_space<hbm>>
      %dma_wait3A_599 = arith.constant 0 : i32
      %dma_wait3A_600 = tpu.memref_slice %arg3[%mul3A_0, %dma_wait3A_599] : memref<64x16xf32, #tpu.memory_space<hbm>> -> memref<4x16xf32, #tpu.memory_space<hbm>>
      tpu.wait_dma2 semaphore(%run_scoped3A : memref<!tpu.dma_semaphore, #tpu.memory_space<semaphore_mem>>) src(%arg5 : memref<4x16xf32, #tpu.memory_space<vmem>>) dst(%dma_wait3A_600 : memref<4x16xf32, #tpu.memory_space<hbm>>)
      tpu.yield
    }) : () -> ()
    return
  }
}

module attributes {stable_mosaic.version = 14 : i64} {
  func.func @_ffn_body(%arg0: i32, %arg1: memref<64x512xf32, #tpu.memory_space<vmem>>, %arg2: memref<64x16xf32, #tpu.memory_space<vmem>>, %arg3: memref<4x1024x512xf32, #tpu.memory_space<vmem>>, %arg4: memref<16x1024xf32, #tpu.memory_space<vmem>>, %arg5: memref<4x512x512xf32, #tpu.memory_space<vmem>>, %arg6: memref<16x512xf32, #tpu.memory_space<vmem>>, %arg7: memref<64x512xf32, #tpu.memory_space<vmem>>, %arg8: memref<1024x512xbf16, #tpu.memory_space<vmem>>, %arg9: memref<1024x512xbf16, #tpu.memory_space<vmem>>) attributes {dimension_semantics = [#tpu.dimension_semantics<arbitrary>], iteration_bounds = array<i64: 4>, scalar_prefetch = 0 : i64, scratch_operands = 2 : i64, tpu.core_type = #tpu.core_type<tc>, window_params = [{pipeline_mode = #tpu.pipeline_mode<synchronous>, transform_indices = @transform_0, window_bounds = array<i64: 64, 512>}, {pipeline_mode = #tpu.pipeline_mode<synchronous>, transform_indices = @transform_1, window_bounds = array<i64: 64, 16>}, {transform_indices = @transform_2, window_bounds = array<i64: 4, 1024, 512>}, {pipeline_mode = #tpu.pipeline_mode<synchronous>, transform_indices = @transform_3, window_bounds = array<i64: 16, 1024>}, {transform_indices = @transform_4, window_bounds = array<i64: 4, 512, 512>}, {pipeline_mode = #tpu.pipeline_mode<synchronous>, transform_indices = @transform_5, window_bounds = array<i64: 16, 512>}, {pipeline_mode = #tpu.pipeline_mode<synchronous>, transform_indices = @transform_6, window_bounds = array<i64: 64, 512>}]} {
    %eq3A = arith.constant 0 : i32
    %eq3A_0 = arith.cmpi eq, %arg0, %eq3A : i32
    %convert_element_type3A = arith.extui %eq3A_0 : i1 to i32
    %cond3A = arith.constant 0 : i32
    %cond3A_1 = arith.cmpi ne, %convert_element_type3A, %cond3A : i32
    scf.if %cond3A_1 {
      %iota3A_319 = tpu.iota {dimensions = array<i32: 0>} : vector<1024x512xi32>
      %iota3A_320 = tpu.iota {dimensions = array<i32: 1>} : vector<1024x512xi32>
      %mul3A_321 = arith.constant 2 : i32
      %mul3A_322 = vector.broadcast %mul3A_321 : i32 to vector<1024x512xi32>
      %mul3A_323 = arith.muli %mul3A_322, %iota3A_320 : vector<1024x512xi32>
      %eq3A_324 = arith.cmpi eq, %iota3A_319, %mul3A_323 : vector<1024x512xi32>
      %convert_element_type3A_325 = arith.extui %eq3A_324 : vector<1024x512xi1> to vector<1024x512xi32>
      %convert_element_type3A_326 = arith.sitofp %convert_element_type3A_325 : vector<1024x512xi32> to vector<1024x512xf32>
      %convert_element_type3A_327 = arith.truncf %convert_element_type3A_326 : vector<1024x512xf32> to vector<1024x512xbf16>
      %swap3A = arith.constant 0 : index
      %swap3A_328 = arith.constant 0 : index
      %swap3A_329 = vector.load %arg8[%swap3A, %swap3A_328] : memref<1024x512xbf16, #tpu.memory_space<vmem>>, vector<1024x512xbf16>
      tpu.vector_store %arg8[%swap3A, %swap3A_328], %convert_element_type3A_327 {strides = array<i32>} : memref<1024x512xbf16, #tpu.memory_space<vmem>>, vector<1024x512xbf16>,
      %mul3A_330 = arith.constant 2 : i32
      %mul3A_331 = vector.broadcast %mul3A_330 : i32 to vector<1024x512xi32>
      %mul3A_332 = arith.muli %mul3A_331, %iota3A_320 : vector<1024x512xi32>
      %add3A_333 = arith.constant 1 : i32
      %add3A_334 = vector.broadcast %add3A_333 : i32 to vector<1024x512xi32>
      %add3A_335 = arith.addi %mul3A_332, %add3A_334 : vector<1024x512xi32>
      %eq3A_336 = arith.cmpi eq, %iota3A_319, %add3A_335 : vector<1024x512xi32>
      %convert_element_type3A_337 = arith.extui %eq3A_336 : vector<1024x512xi1> to vector<1024x512xi32>
      %convert_element_type3A_338 = arith.sitofp %convert_element_type3A_337 : vector<1024x512xi32> to vector<1024x512xf32>
      %convert_element_type3A_339 = arith.truncf %convert_element_type3A_338 : vector<1024x512xf32> to vector<1024x512xbf16>
      %swap3A_340 = arith.constant 0 : index
      %swap3A_341 = arith.constant 0 : index
      %swap3A_342 = vector.load %arg9[%swap3A_340, %swap3A_341] : memref<1024x512xbf16, #tpu.memory_space<vmem>>, vector<1024x512xbf16>
      tpu.vector_store %arg9[%swap3A_340, %swap3A_341], %convert_element_type3A_339 {strides = array<i32>} : memref<1024x512xbf16, #tpu.memory_space<vmem>>, vector<1024x512xbf16>,
    } else {
    }
    %get3A = arith.constant 0 : index
    %get3A_2 = arith.constant 0 : index
    %get3A_3 = vector.load %arg1[%get3A, %get3A_2] : memref<64x512xf32, #tpu.memory_space<vmem>>, vector<64x512xf32>
    %convert_element_type3A_4 = arith.truncf %get3A_3 : vector<64x512xf32> to vector<64x512xbf16>
    %iota3A = tpu.iota {dimensions = array<i32: 1>} : vector<64x16xi32>
    %mul3A = arith.constant 4 : i32
    %mul3A_5 = arith.muli %arg0, %mul3A : i32
    %add3A = arith.constant 0 : i32
    %add3A_6 = arith.addi %mul3A_5, %add3A : i32
    %get3A_7 = arith.constant 0 : index
    %get3A_8 = arith.constant 0 : index
    %get3A_9 = arith.constant 0 : index
    %get3A_10 = vector.load %arg3[%get3A_7, %get3A_8, %get3A_9] : memref<4x1024x512xf32, #tpu.memory_space<vmem>>, vector<1x1024x512xf32>
    %get3A_11 = vector.shape_cast %get3A_10 : vector<1x1024x512xf32> to vector<1024x512xf32>
    %convert_element_type3A_12 = arith.truncf %get3A_11 : vector<1024x512xf32> to vector<1024x512xbf16>
    %dot_general3A = arith.constant dense<0.000000e+00> : vector<64x1024xf32>
    %dot_general3A_13 = tpu.matmul %convert_element_type3A_4, %convert_element_type3A_12, %dot_general3A {dimension_numbers = #tpu.dot_dimension_numbers<[1], [1], [0], [0], [0, 0, 1, 0], [], []>, transpose_lhs_hint = false} : vector<64x512xbf16>, vector<1024x512xbf16>, vector<64x1024xf32> -> vector<64x1024xf32>
    %get3A_14 = arith.index_cast %add3A_6 : i32 to index
    %get3A_15 = arith.constant 0 : index
    %get3A_16 = vector.load %arg4[%get3A_14, %get3A_15] : memref<16x1024xf32, #tpu.memory_space<vmem>>, vector<1x1024xf32>
    %add3A_17 = vector.broadcast %get3A_16 : vector<1x1024xf32> to vector<64x1024xf32>
    %add3A_18 = arith.addf %dot_general3A_13, %add3A_17 : vector<64x1024xf32>
    %convert_element_type3A_19 = arith.truncf %add3A_18 : vector<64x1024xf32> to vector<64x1024xbf16>
    %get3A_20 = arith.constant 0 : index
    %get3A_21 = arith.constant 0 : index
    %get3A_22 = vector.load %arg8[%get3A_20, %get3A_21] : memref<1024x512xbf16, #tpu.memory_space<vmem>>, vector<1024x512xbf16>
    %dot_general3A_23 = arith.constant dense<0.000000e+00> : vector<64x512xf32>
    %dot_general3A_24 = tpu.matmul %convert_element_type3A_19, %get3A_22, %dot_general3A_23 {dimension_numbers = #tpu.dot_dimension_numbers<[1], [0], [0], [1], [0, 0, 1, 1], [], []>, transpose_lhs_hint = false} : vector<64x1024xbf16>, vector<1024x512xbf16>, vector<64x512xf32> -> vector<64x512xf32>
    %get3A_25 = arith.constant 0 : index
    %get3A_26 = arith.constant 0 : index
    %get3A_27 = vector.load %arg9[%get3A_25, %get3A_26] : memref<1024x512xbf16, #tpu.memory_space<vmem>>, vector<1024x512xbf16>
    %dot_general3A_28 = arith.constant dense<0.000000e+00> : vector<64x512xf32>
    %dot_general3A_29 = tpu.matmul %convert_element_type3A_19, %get3A_27, %dot_general3A_28 {dimension_numbers = #tpu.dot_dimension_numbers<[1], [0], [0], [1], [0, 0, 1, 1], [], []>, transpose_lhs_hint = false} : vector<64x1024xbf16>, vector<1024x512xbf16>, vector<64x512xf32> -> vector<64x512xf32>
    %min3A = arith.constant 7.000000e+00 : f32
    %min3A_30 = vector.broadcast %min3A : f32 to vector<64x512xf32>
    %min3A_31 = arith.minimumf %dot_general3A_24, %min3A_30 : vector<64x512xf32>
    %jit3A = arith.constant -7.000000e+00 : f32
    %jit3A_32 = arith.constant 7.000000e+00 : f32
    %max3A = vector.broadcast %jit3A : f32 to vector<64x512xf32>
    %max3A_33 = arith.maximumf %max3A, %dot_general3A_29 : vector<64x512xf32>
    %min3A_34 = vector.broadcast %jit3A_32 : f32 to vector<64x512xf32>
    %min3A_35 = arith.minimumf %min3A_34, %max3A_33 : vector<64x512xf32>
    %mul3A_36 = arith.constant 1.702000e+00 : f32
    %mul3A_37 = vector.broadcast %mul3A_36 : f32 to vector<64x512xf32>
    %mul3A_38 = arith.mulf %mul3A_37, %min3A_31 : vector<64x512xf32>
    %logistic3A = arith.negf %mul3A_38 : vector<64x512xf32>
    %logistic3A_39 = math.exp %logistic3A : vector<64x512xf32>
    %logistic3A_40 = arith.constant 1.000000e+00 : f32
    %logistic3A_41 = vector.broadcast %logistic3A_40 : f32 to vector<64x512xf32>
    %logistic3A_42 = arith.addf %logistic3A_41, %logistic3A_39 : vector<64x512xf32>
    %logistic3A_43 = arith.divf %logistic3A_41, %logistic3A_42 : vector<64x512xf32>
    %mul3A_44 = arith.mulf %min3A_31, %logistic3A_43 : vector<64x512xf32>
    %add3A_45 = arith.constant 1.000000e+00 : f32
    %add3A_46 = vector.broadcast %add3A_45 : f32 to vector<64x512xf32>
    %add3A_47 = arith.addf %min3A_35, %add3A_46 : vector<64x512xf32>
    %mul3A_48 = arith.mulf %mul3A_44, %add3A_47 : vector<64x512xf32>
    %convert_element_type3A_49 = arith.truncf %mul3A_48 : vector<64x512xf32> to vector<64x512xbf16>
    %get3A_50 = arith.constant 0 : index
    %get3A_51 = arith.constant 0 : index
    %get3A_52 = arith.constant 0 : index
    %get3A_53 = vector.load %arg5[%get3A_50, %get3A_51, %get3A_52] : memref<4x512x512xf32, #tpu.memory_space<vmem>>, vector<1x512x512xf32>
    %get3A_54 = vector.shape_cast %get3A_53 : vector<1x512x512xf32> to vector<512x512xf32>
    %convert_element_type3A_55 = arith.truncf %get3A_54 : vector<512x512xf32> to vector<512x512xbf16>
    %dot_general3A_56 = arith.constant dense<0.000000e+00> : vector<64x512xf32>
    %dot_general3A_57 = tpu.matmul %convert_element_type3A_49, %convert_element_type3A_55, %dot_general3A_56 {dimension_numbers = #tpu.dot_dimension_numbers<[1], [1], [0], [0], [0, 0, 1, 0], [], []>, transpose_lhs_hint = false} : vector<64x512xbf16>, vector<512x512xbf16>, vector<64x512xf32> -> vector<64x512xf32>
    %get3A_58 = arith.index_cast %add3A_6 : i32 to index
    %get3A_59 = arith.constant 0 : index
    %get3A_60 = vector.load %arg6[%get3A_58, %get3A_59] : memref<16x512xf32, #tpu.memory_space<vmem>>, vector<1x512xf32>
    %add3A_61 = vector.broadcast %get3A_60 : vector<1x512xf32> to vector<64x512xf32>
    %add3A_62 = arith.addf %dot_general3A_57, %add3A_61 : vector<64x512xf32>
    %eq3A_63 = vector.broadcast %add3A_6 : i32 to vector<64x16xi32>
    %eq3A_64 = arith.cmpi eq, %iota3A, %eq3A_63 : vector<64x16xi32>
    %get3A_65 = arith.constant 0 : index
    %get3A_66 = arith.constant 0 : index
    %get3A_67 = vector.load %arg2[%get3A_65, %get3A_66] : memref<64x16xf32, #tpu.memory_space<vmem>>, vector<64x16xf32>
    %jit3A_68 = arith.constant 0.000000e+00 : f32
    %broadcast_in_dim3A = vector.broadcast %jit3A_68 : f32 to vector<64x16xf32>
    %select_n3A = arith.select %eq3A_64, %get3A_67, %broadcast_in_dim3A : vector<64x16xi1>, vector<64x16xf32>
    %reduce_sum3A = arith.constant dense<0.000000e+00> : vector<64xf32>
    %reduce_sum3A_69 = vector.multi_reduction <add>, %select_n3A, %reduce_sum3A [1] : vector<64x16xf32> to vector<64xf32>
    %broadcast_in_dim3A_70 = vector.shape_cast %reduce_sum3A_69 : vector<64xf32> to vector<64x1xf32>
    %mul3A_71 = vector.broadcast %broadcast_in_dim3A_70 : vector<64x1xf32> to vector<64x512xf32>
    %mul3A_72 = arith.mulf %mul3A_71, %add3A_62 : vector<64x512xf32>
    %mul3A_73 = arith.constant 4 : i32
    %mul3A_74 = arith.muli %arg0, %mul3A_73 : i32
    %add3A_75 = arith.constant 1 : i32
    %add3A_76 = arith.addi %mul3A_74, %add3A_75 : i32
    %get3A_77 = arith.constant 1 : index
    %get3A_78 = arith.constant 0 : index
    %get3A_79 = arith.constant 0 : index
    %get3A_80 = vector.load %arg3[%get3A_77, %get3A_78, %get3A_79] : memref<4x1024x512xf32, #tpu.memory_space<vmem>>, vector<1x1024x512xf32>
    %get3A_81 = vector.shape_cast %get3A_80 : vector<1x1024x512xf32> to vector<1024x512xf32>
    %convert_element_type3A_82 = arith.truncf %get3A_81 : vector<1024x512xf32> to vector<1024x512xbf16>
    %dot_general3A_83 = arith.constant dense<0.000000e+00> : vector<64x1024xf32>
    %dot_general3A_84 = tpu.matmul %convert_element_type3A_4, %convert_element_type3A_82, %dot_general3A_83 {dimension_numbers = #tpu.dot_dimension_numbers<[1], [1], [0], [0], [0, 0, 1, 0], [], []>, transpose_lhs_hint = false} : vector<64x512xbf16>, vector<1024x512xbf16>, vector<64x1024xf32> -> vector<64x1024xf32>
    %get3A_85 = arith.index_cast %add3A_76 : i32 to index
    %get3A_86 = arith.constant 0 : index
    %get3A_87 = vector.load %arg4[%get3A_85, %get3A_86] : memref<16x1024xf32, #tpu.memory_space<vmem>>, vector<1x1024xf32>
    %add3A_88 = vector.broadcast %get3A_87 : vector<1x1024xf32> to vector<64x1024xf32>
    %add3A_89 = arith.addf %dot_general3A_84, %add3A_88 : vector<64x1024xf32>
    %convert_element_type3A_90 = arith.truncf %add3A_89 : vector<64x1024xf32> to vector<64x1024xbf16>
    %get3A_91 = arith.constant 0 : index
    %get3A_92 = arith.constant 0 : index
    %get3A_93 = vector.load %arg8[%get3A_91, %get3A_92] : memref<1024x512xbf16, #tpu.memory_space<vmem>>, vector<1024x512xbf16>
    %dot_general3A_94 = arith.constant dense<0.000000e+00> : vector<64x512xf32>
    %dot_general3A_95 = tpu.matmul %convert_element_type3A_90, %get3A_93, %dot_general3A_94 {dimension_numbers = #tpu.dot_dimension_numbers<[1], [0], [0], [1], [0, 0, 1, 1], [], []>, transpose_lhs_hint = false} : vector<64x1024xbf16>, vector<1024x512xbf16>, vector<64x512xf32> -> vector<64x512xf32>
    %get3A_96 = arith.constant 0 : index
    %get3A_97 = arith.constant 0 : index
    %get3A_98 = vector.load %arg9[%get3A_96, %get3A_97] : memref<1024x512xbf16, #tpu.memory_space<vmem>>, vector<1024x512xbf16>
    %dot_general3A_99 = arith.constant dense<0.000000e+00> : vector<64x512xf32>
    %dot_general3A_100 = tpu.matmul %convert_element_type3A_90, %get3A_98, %dot_general3A_99 {dimension_numbers = #tpu.dot_dimension_numbers<[1], [0], [0], [1], [0, 0, 1, 1], [], []>, transpose_lhs_hint = false} : vector<64x1024xbf16>, vector<1024x512xbf16>, vector<64x512xf32> -> vector<64x512xf32>
    %min3A_101 = arith.constant 7.000000e+00 : f32
    %min3A_102 = vector.broadcast %min3A_101 : f32 to vector<64x512xf32>
    %min3A_103 = arith.minimumf %dot_general3A_95, %min3A_102 : vector<64x512xf32>
    %jit3A_104 = arith.constant -7.000000e+00 : f32
    %jit3A_105 = arith.constant 7.000000e+00 : f32
    %max3A_106 = vector.broadcast %jit3A_104 : f32 to vector<64x512xf32>
    %max3A_107 = arith.maximumf %max3A_106, %dot_general3A_100 : vector<64x512xf32>
    %min3A_108 = vector.broadcast %jit3A_105 : f32 to vector<64x512xf32>
    %min3A_109 = arith.minimumf %min3A_108, %max3A_107 : vector<64x512xf32>
    %mul3A_110 = arith.constant 1.702000e+00 : f32
    %mul3A_111 = vector.broadcast %mul3A_110 : f32 to vector<64x512xf32>
    %mul3A_112 = arith.mulf %mul3A_111, %min3A_103 : vector<64x512xf32>
    %logistic3A_113 = arith.negf %mul3A_112 : vector<64x512xf32>
    %logistic3A_114 = math.exp %logistic3A_113 : vector<64x512xf32>
    %logistic3A_115 = arith.constant 1.000000e+00 : f32
    %logistic3A_116 = vector.broadcast %logistic3A_115 : f32 to vector<64x512xf32>
    %logistic3A_117 = arith.addf %logistic3A_116, %logistic3A_114 : vector<64x512xf32>
    %logistic3A_118 = arith.divf %logistic3A_116, %logistic3A_117 : vector<64x512xf32>
    %mul3A_119 = arith.mulf %min3A_103, %logistic3A_118 : vector<64x512xf32>
    %add3A_120 = arith.constant 1.000000e+00 : f32
    %add3A_121 = vector.broadcast %add3A_120 : f32 to vector<64x512xf32>
    %add3A_122 = arith.addf %min3A_109, %add3A_121 : vector<64x512xf32>
    %mul3A_123 = arith.mulf %mul3A_119, %add3A_122 : vector<64x512xf32>
    %convert_element_type3A_124 = arith.truncf %mul3A_123 : vector<64x512xf32> to vector<64x512xbf16>
    %get3A_125 = arith.constant 1 : index
    %get3A_126 = arith.constant 0 : index
    %get3A_127 = arith.constant 0 : index
    %get3A_128 = vector.load %arg5[%get3A_125, %get3A_126, %get3A_127] : memref<4x512x512xf32, #tpu.memory_space<vmem>>, vector<1x512x512xf32>
    %get3A_129 = vector.shape_cast %get3A_128 : vector<1x512x512xf32> to vector<512x512xf32>
    %convert_element_type3A_130 = arith.truncf %get3A_129 : vector<512x512xf32> to vector<512x512xbf16>
    %dot_general3A_131 = arith.constant dense<0.000000e+00> : vector<64x512xf32>
    %dot_general3A_132 = tpu.matmul %convert_element_type3A_124, %convert_element_type3A_130, %dot_general3A_131 {dimension_numbers = #tpu.dot_dimension_numbers<[1], [1], [0], [0], [0, 0, 1, 0], [], []>, transpose_lhs_hint = false} : vector<64x512xbf16>, vector<512x512xbf16>, vector<64x512xf32> -> vector<64x512xf32>
    %get3A_133 = arith.index_cast %add3A_76 : i32 to index
    %get3A_134 = arith.constant 0 : index
    %get3A_135 = vector.load %arg6[%get3A_133, %get3A_134] : memref<16x512xf32, #tpu.memory_space<vmem>>, vector<1x512xf32>
    %add3A_136 = vector.broadcast %get3A_135 : vector<1x512xf32> to vector<64x512xf32>
    %add3A_137 = arith.addf %dot_general3A_132, %add3A_136 : vector<64x512xf32>
    %eq3A_138 = vector.broadcast %add3A_76 : i32 to vector<64x16xi32>
    %eq3A_139 = arith.cmpi eq, %iota3A, %eq3A_138 : vector<64x16xi32>
    %get3A_140 = arith.constant 0 : index
    %get3A_141 = arith.constant 0 : index
    %get3A_142 = vector.load %arg2[%get3A_140, %get3A_141] : memref<64x16xf32, #tpu.memory_space<vmem>>, vector<64x16xf32>
    %jit3A_143 = arith.constant 0.000000e+00 : f32
    %broadcast_in_dim3A_144 = vector.broadcast %jit3A_143 : f32 to vector<64x16xf32>
    %select_n3A_145 = arith.select %eq3A_139, %get3A_142, %broadcast_in_dim3A_144 : vector<64x16xi1>, vector<64x16xf32>
    %reduce_sum3A_146 = arith.constant dense<0.000000e+00> : vector<64xf32>
    %reduce_sum3A_147 = vector.multi_reduction <add>, %select_n3A_145, %reduce_sum3A_146 [1] : vector<64x16xf32> to vector<64xf32>
    %broadcast_in_dim3A_148 = vector.shape_cast %reduce_sum3A_147 : vector<64xf32> to vector<64x1xf32>
    %mul3A_149 = vector.broadcast %broadcast_in_dim3A_148 : vector<64x1xf32> to vector<64x512xf32>
    %mul3A_150 = arith.mulf %mul3A_149, %add3A_137 : vector<64x512xf32>
    %add3A_151 = arith.addf %mul3A_72, %mul3A_150 : vector<64x512xf32>
    %mul3A_152 = arith.constant 4 : i32
    %mul3A_153 = arith.muli %arg0, %mul3A_152 : i32
    %add3A_154 = arith.constant 2 : i32
    %add3A_155 = arith.addi %mul3A_153, %add3A_154 : i32
    %get3A_156 = arith.constant 2 : index
    %get3A_157 = arith.constant 0 : index
    %get3A_158 = arith.constant 0 : index
    %get3A_159 = vector.load %arg3[%get3A_156, %get3A_157, %get3A_158] : memref<4x1024x512xf32, #tpu.memory_space<vmem>>, vector<1x1024x512xf32>
    %get3A_160 = vector.shape_cast %get3A_159 : vector<1x1024x512xf32> to vector<1024x512xf32>
    %convert_element_type3A_161 = arith.truncf %get3A_160 : vector<1024x512xf32> to vector<1024x512xbf16>
    %dot_general3A_162 = arith.constant dense<0.000000e+00> : vector<64x1024xf32>
    %dot_general3A_163 = tpu.matmul %convert_element_type3A_4, %convert_element_type3A_161, %dot_general3A_162 {dimension_numbers = #tpu.dot_dimension_numbers<[1], [1], [0], [0], [0, 0, 1, 0], [], []>, transpose_lhs_hint = false} : vector<64x512xbf16>, vector<1024x512xbf16>, vector<64x1024xf32> -> vector<64x1024xf32>
    %get3A_164 = arith.index_cast %add3A_155 : i32 to index
    %get3A_165 = arith.constant 0 : index
    %get3A_166 = vector.load %arg4[%get3A_164, %get3A_165] : memref<16x1024xf32, #tpu.memory_space<vmem>>, vector<1x1024xf32>
    %add3A_167 = vector.broadcast %get3A_166 : vector<1x1024xf32> to vector<64x1024xf32>
    %add3A_168 = arith.addf %dot_general3A_163, %add3A_167 : vector<64x1024xf32>
    %convert_element_type3A_169 = arith.truncf %add3A_168 : vector<64x1024xf32> to vector<64x1024xbf16>
    %get3A_170 = arith.constant 0 : index
    %get3A_171 = arith.constant 0 : index
    %get3A_172 = vector.load %arg8[%get3A_170, %get3A_171] : memref<1024x512xbf16, #tpu.memory_space<vmem>>, vector<1024x512xbf16>
    %dot_general3A_173 = arith.constant dense<0.000000e+00> : vector<64x512xf32>
    %dot_general3A_174 = tpu.matmul %convert_element_type3A_169, %get3A_172, %dot_general3A_173 {dimension_numbers = #tpu.dot_dimension_numbers<[1], [0], [0], [1], [0, 0, 1, 1], [], []>, transpose_lhs_hint = false} : vector<64x1024xbf16>, vector<1024x512xbf16>, vector<64x512xf32> -> vector<64x512xf32>
    %get3A_175 = arith.constant 0 : index
    %get3A_176 = arith.constant 0 : index
    %get3A_177 = vector.load %arg9[%get3A_175, %get3A_176] : memref<1024x512xbf16, #tpu.memory_space<vmem>>, vector<1024x512xbf16>
    %dot_general3A_178 = arith.constant dense<0.000000e+00> : vector<64x512xf32>
    %dot_general3A_179 = tpu.matmul %convert_element_type3A_169, %get3A_177, %dot_general3A_178 {dimension_numbers = #tpu.dot_dimension_numbers<[1], [0], [0], [1], [0, 0, 1, 1], [], []>, transpose_lhs_hint = false} : vector<64x1024xbf16>, vector<1024x512xbf16>, vector<64x512xf32> -> vector<64x512xf32>
    %min3A_180 = arith.constant 7.000000e+00 : f32
    %min3A_181 = vector.broadcast %min3A_180 : f32 to vector<64x512xf32>
    %min3A_182 = arith.minimumf %dot_general3A_174, %min3A_181 : vector<64x512xf32>
    %jit3A_183 = arith.constant -7.000000e+00 : f32
    %jit3A_184 = arith.constant 7.000000e+00 : f32
    %max3A_185 = vector.broadcast %jit3A_183 : f32 to vector<64x512xf32>
    %max3A_186 = arith.maximumf %max3A_185, %dot_general3A_179 : vector<64x512xf32>
    %min3A_187 = vector.broadcast %jit3A_184 : f32 to vector<64x512xf32>
    %min3A_188 = arith.minimumf %min3A_187, %max3A_186 : vector<64x512xf32>
    %mul3A_189 = arith.constant 1.702000e+00 : f32
    %mul3A_190 = vector.broadcast %mul3A_189 : f32 to vector<64x512xf32>
    %mul3A_191 = arith.mulf %mul3A_190, %min3A_182 : vector<64x512xf32>
    %logistic3A_192 = arith.negf %mul3A_191 : vector<64x512xf32>
    %logistic3A_193 = math.exp %logistic3A_192 : vector<64x512xf32>
    %logistic3A_194 = arith.constant 1.000000e+00 : f32
    %logistic3A_195 = vector.broadcast %logistic3A_194 : f32 to vector<64x512xf32>
    %logistic3A_196 = arith.addf %logistic3A_195, %logistic3A_193 : vector<64x512xf32>
    %logistic3A_197 = arith.divf %logistic3A_195, %logistic3A_196 : vector<64x512xf32>
    %mul3A_198 = arith.mulf %min3A_182, %logistic3A_197 : vector<64x512xf32>
    %add3A_199 = arith.constant 1.000000e+00 : f32
    %add3A_200 = vector.broadcast %add3A_199 : f32 to vector<64x512xf32>
    %add3A_201 = arith.addf %min3A_188, %add3A_200 : vector<64x512xf32>
    %mul3A_202 = arith.mulf %mul3A_198, %add3A_201 : vector<64x512xf32>
    %convert_element_type3A_203 = arith.truncf %mul3A_202 : vector<64x512xf32> to vector<64x512xbf16>
    %get3A_204 = arith.constant 2 : index
    %get3A_205 = arith.constant 0 : index
    %get3A_206 = arith.constant 0 : index
    %get3A_207 = vector.load %arg5[%get3A_204, %get3A_205, %get3A_206] : memref<4x512x512xf32, #tpu.memory_space<vmem>>, vector<1x512x512xf32>
    %get3A_208 = vector.shape_cast %get3A_207 : vector<1x512x512xf32> to vector<512x512xf32>
    %convert_element_type3A_209 = arith.truncf %get3A_208 : vector<512x512xf32> to vector<512x512xbf16>
    %dot_general3A_210 = arith.constant dense<0.000000e+00> : vector<64x512xf32>
    %dot_general3A_211 = tpu.matmul %convert_element_type3A_203, %convert_element_type3A_209, %dot_general3A_210 {dimension_numbers = #tpu.dot_dimension_numbers<[1], [1], [0], [0], [0, 0, 1, 0], [], []>, transpose_lhs_hint = false} : vector<64x512xbf16>, vector<512x512xbf16>, vector<64x512xf32> -> vector<64x512xf32>
    %get3A_212 = arith.index_cast %add3A_155 : i32 to index
    %get3A_213 = arith.constant 0 : index
    %get3A_214 = vector.load %arg6[%get3A_212, %get3A_213] : memref<16x512xf32, #tpu.memory_space<vmem>>, vector<1x512xf32>
    %add3A_215 = vector.broadcast %get3A_214 : vector<1x512xf32> to vector<64x512xf32>
    %add3A_216 = arith.addf %dot_general3A_211, %add3A_215 : vector<64x512xf32>
    %eq3A_217 = vector.broadcast %add3A_155 : i32 to vector<64x16xi32>
    %eq3A_218 = arith.cmpi eq, %iota3A, %eq3A_217 : vector<64x16xi32>
    %get3A_219 = arith.constant 0 : index
    %get3A_220 = arith.constant 0 : index
    %get3A_221 = vector.load %arg2[%get3A_219, %get3A_220] : memref<64x16xf32, #tpu.memory_space<vmem>>, vector<64x16xf32>
    %jit3A_222 = arith.constant 0.000000e+00 : f32
    %broadcast_in_dim3A_223 = vector.broadcast %jit3A_222 : f32 to vector<64x16xf32>
    %select_n3A_224 = arith.select %eq3A_218, %get3A_221, %broadcast_in_dim3A_223 : vector<64x16xi1>, vector<64x16xf32>
    %reduce_sum3A_225 = arith.constant dense<0.000000e+00> : vector<64xf32>
    %reduce_sum3A_226 = vector.multi_reduction <add>, %select_n3A_224, %reduce_sum3A_225 [1] : vector<64x16xf32> to vector<64xf32>
    %broadcast_in_dim3A_227 = vector.shape_cast %reduce_sum3A_226 : vector<64xf32> to vector<64x1xf32>
    %mul3A_228 = vector.broadcast %broadcast_in_dim3A_227 : vector<64x1xf32> to vector<64x512xf32>
    %mul3A_229 = arith.mulf %mul3A_228, %add3A_216 : vector<64x512xf32>
    %add3A_230 = arith.addf %add3A_151, %mul3A_229 : vector<64x512xf32>
    %mul3A_231 = arith.constant 4 : i32
    %mul3A_232 = arith.muli %arg0, %mul3A_231 : i32
    %add3A_233 = arith.constant 3 : i32
    %add3A_234 = arith.addi %mul3A_232, %add3A_233 : i32
    %get3A_235 = arith.constant 3 : index
    %get3A_236 = arith.constant 0 : index
    %get3A_237 = arith.constant 0 : index
    %get3A_238 = vector.load %arg3[%get3A_235, %get3A_236, %get3A_237] : memref<4x1024x512xf32, #tpu.memory_space<vmem>>, vector<1x1024x512xf32>
    %get3A_239 = vector.shape_cast %get3A_238 : vector<1x1024x512xf32> to vector<1024x512xf32>
    %convert_element_type3A_240 = arith.truncf %get3A_239 : vector<1024x512xf32> to vector<1024x512xbf16>
    %dot_general3A_241 = arith.constant dense<0.000000e+00> : vector<64x1024xf32>
    %dot_general3A_242 = tpu.matmul %convert_element_type3A_4, %convert_element_type3A_240, %dot_general3A_241 {dimension_numbers = #tpu.dot_dimension_numbers<[1], [1], [0], [0], [0, 0, 1, 0], [], []>, transpose_lhs_hint = false} : vector<64x512xbf16>, vector<1024x512xbf16>, vector<64x1024xf32> -> vector<64x1024xf32>
    %get3A_243 = arith.index_cast %add3A_234 : i32 to index
    %get3A_244 = arith.constant 0 : index
    %get3A_245 = vector.load %arg4[%get3A_243, %get3A_244] : memref<16x1024xf32, #tpu.memory_space<vmem>>, vector<1x1024xf32>
    %add3A_246 = vector.broadcast %get3A_245 : vector<1x1024xf32> to vector<64x1024xf32>
    %add3A_247 = arith.addf %dot_general3A_242, %add3A_246 : vector<64x1024xf32>
    %convert_element_type3A_248 = arith.truncf %add3A_247 : vector<64x1024xf32> to vector<64x1024xbf16>
    %get3A_249 = arith.constant 0 : index
    %get3A_250 = arith.constant 0 : index
    %get3A_251 = vector.load %arg8[%get3A_249, %get3A_250] : memref<1024x512xbf16, #tpu.memory_space<vmem>>, vector<1024x512xbf16>
    %dot_general3A_252 = arith.constant dense<0.000000e+00> : vector<64x512xf32>
    %dot_general3A_253 = tpu.matmul %convert_element_type3A_248, %get3A_251, %dot_general3A_252 {dimension_numbers = #tpu.dot_dimension_numbers<[1], [0], [0], [1], [0, 0, 1, 1], [], []>, transpose_lhs_hint = false} : vector<64x1024xbf16>, vector<1024x512xbf16>, vector<64x512xf32> -> vector<64x512xf32>
    %get3A_254 = arith.constant 0 : index
    %get3A_255 = arith.constant 0 : index
    %get3A_256 = vector.load %arg9[%get3A_254, %get3A_255] : memref<1024x512xbf16, #tpu.memory_space<vmem>>, vector<1024x512xbf16>
    %dot_general3A_257 = arith.constant dense<0.000000e+00> : vector<64x512xf32>
    %dot_general3A_258 = tpu.matmul %convert_element_type3A_248, %get3A_256, %dot_general3A_257 {dimension_numbers = #tpu.dot_dimension_numbers<[1], [0], [0], [1], [0, 0, 1, 1], [], []>, transpose_lhs_hint = false} : vector<64x1024xbf16>, vector<1024x512xbf16>, vector<64x512xf32> -> vector<64x512xf32>
    %min3A_259 = arith.constant 7.000000e+00 : f32
    %min3A_260 = vector.broadcast %min3A_259 : f32 to vector<64x512xf32>
    %min3A_261 = arith.minimumf %dot_general3A_253, %min3A_260 : vector<64x512xf32>
    %jit3A_262 = arith.constant -7.000000e+00 : f32
    %jit3A_263 = arith.constant 7.000000e+00 : f32
    %max3A_264 = vector.broadcast %jit3A_262 : f32 to vector<64x512xf32>
    %max3A_265 = arith.maximumf %max3A_264, %dot_general3A_258 : vector<64x512xf32>
    %min3A_266 = vector.broadcast %jit3A_263 : f32 to vector<64x512xf32>
    %min3A_267 = arith.minimumf %min3A_266, %max3A_265 : vector<64x512xf32>
    %mul3A_268 = arith.constant 1.702000e+00 : f32
    %mul3A_269 = vector.broadcast %mul3A_268 : f32 to vector<64x512xf32>
    %mul3A_270 = arith.mulf %mul3A_269, %min3A_261 : vector<64x512xf32>
    %logistic3A_271 = arith.negf %mul3A_270 : vector<64x512xf32>
    %logistic3A_272 = math.exp %logistic3A_271 : vector<64x512xf32>
    %logistic3A_273 = arith.constant 1.000000e+00 : f32
    %logistic3A_274 = vector.broadcast %logistic3A_273 : f32 to vector<64x512xf32>
    %logistic3A_275 = arith.addf %logistic3A_274, %logistic3A_272 : vector<64x512xf32>
    %logistic3A_276 = arith.divf %logistic3A_274, %logistic3A_275 : vector<64x512xf32>
    %mul3A_277 = arith.mulf %min3A_261, %logistic3A_276 : vector<64x512xf32>
    %add3A_278 = arith.constant 1.000000e+00 : f32
    %add3A_279 = vector.broadcast %add3A_278 : f32 to vector<64x512xf32>
    %add3A_280 = arith.addf %min3A_267, %add3A_279 : vector<64x512xf32>
    %mul3A_281 = arith.mulf %mul3A_277, %add3A_280 : vector<64x512xf32>
    %convert_element_type3A_282 = arith.truncf %mul3A_281 : vector<64x512xf32> to vector<64x512xbf16>
    %get3A_283 = arith.constant 3 : index
    %get3A_284 = arith.constant 0 : index
    %get3A_285 = arith.constant 0 : index
    %get3A_286 = vector.load %arg5[%get3A_283, %get3A_284, %get3A_285] : memref<4x512x512xf32, #tpu.memory_space<vmem>>, vector<1x512x512xf32>
    %get3A_287 = vector.shape_cast %get3A_286 : vector<1x512x512xf32> to vector<512x512xf32>
    %convert_element_type3A_288 = arith.truncf %get3A_287 : vector<512x512xf32> to vector<512x512xbf16>
    %dot_general3A_289 = arith.constant dense<0.000000e+00> : vector<64x512xf32>
    %dot_general3A_290 = tpu.matmul %convert_element_type3A_282, %convert_element_type3A_288, %dot_general3A_289 {dimension_numbers = #tpu.dot_dimension_numbers<[1], [1], [0], [0], [0, 0, 1, 0], [], []>, transpose_lhs_hint = false} : vector<64x512xbf16>, vector<512x512xbf16>, vector<64x512xf32> -> vector<64x512xf32>
    %get3A_291 = arith.index_cast %add3A_234 : i32 to index
    %get3A_292 = arith.constant 0 : index
    %get3A_293 = vector.load %arg6[%get3A_291, %get3A_292] : memref<16x512xf32, #tpu.memory_space<vmem>>, vector<1x512xf32>
    %add3A_294 = vector.broadcast %get3A_293 : vector<1x512xf32> to vector<64x512xf32>
    %add3A_295 = arith.addf %dot_general3A_290, %add3A_294 : vector<64x512xf32>
    %eq3A_296 = vector.broadcast %add3A_234 : i32 to vector<64x16xi32>
    %eq3A_297 = arith.cmpi eq, %iota3A, %eq3A_296 : vector<64x16xi32>
    %get3A_298 = arith.constant 0 : index
    %get3A_299 = arith.constant 0 : index
    %get3A_300 = vector.load %arg2[%get3A_298, %get3A_299] : memref<64x16xf32, #tpu.memory_space<vmem>>, vector<64x16xf32>
    %jit3A_301 = arith.constant 0.000000e+00 : f32
    %broadcast_in_dim3A_302 = vector.broadcast %jit3A_301 : f32 to vector<64x16xf32>
    %select_n3A_303 = arith.select %eq3A_297, %get3A_300, %broadcast_in_dim3A_302 : vector<64x16xi1>, vector<64x16xf32>
    %reduce_sum3A_304 = arith.constant dense<0.000000e+00> : vector<64xf32>
    %reduce_sum3A_305 = vector.multi_reduction <add>, %select_n3A_303, %reduce_sum3A_304 [1] : vector<64x16xf32> to vector<64xf32>
    %broadcast_in_dim3A_306 = vector.shape_cast %reduce_sum3A_305 : vector<64xf32> to vector<64x1xf32>
    %mul3A_307 = vector.broadcast %broadcast_in_dim3A_306 : vector<64x1xf32> to vector<64x512xf32>
    %mul3A_308 = arith.mulf %mul3A_307, %add3A_295 : vector<64x512xf32>
    %add3A_309 = arith.addf %add3A_230, %mul3A_308 : vector<64x512xf32>
    %eq3A_310 = arith.constant 0 : i32
    %eq3A_311 = arith.cmpi eq, %arg0, %eq3A_310 : i32
    %convert_element_type3A_312 = arith.extui %eq3A_311 : i1 to i32
    %cond3A_313 = arith.constant 0 : i32
    %cond3A_314 = arith.cmpi ne, %convert_element_type3A_312, %cond3A_313 : i32
    scf.if %cond3A_314 {
      %swap3A = arith.constant 0 : index
      %swap3A_319 = arith.constant 0 : index
      %swap3A_320 = vector.load %arg7[%swap3A, %swap3A_319] : memref<64x512xf32, #tpu.memory_space<vmem>>, vector<64x512xf32>
      tpu.vector_store %arg7[%swap3A, %swap3A_319], %add3A_309 {strides = array<i32>} : memref<64x512xf32, #tpu.memory_space<vmem>>, vector<64x512xf32>,
    } else {
    }
    %gt3A = arith.constant 0 : i32
    %gt3A_315 = arith.cmpi sgt, %arg0, %gt3A : i32
    %convert_element_type3A_316 = arith.extui %gt3A_315 : i1 to i32
    %cond3A_317 = arith.constant 0 : i32
    %cond3A_318 = arith.cmpi ne, %convert_element_type3A_316, %cond3A_317 : i32
    scf.if %cond3A_318 {
      %get3A_319 = arith.constant 0 : index
      %get3A_320 = arith.constant 0 : index
      %get3A_321 = vector.load %arg7[%get3A_319, %get3A_320] : memref<64x512xf32, #tpu.memory_space<vmem>>, vector<64x512xf32>
      %add3A_322 = arith.addf %get3A_321, %add3A_309 : vector<64x512xf32>
      %swap3A = arith.constant 0 : index
      %swap3A_323 = arith.constant 0 : index
      %swap3A_324 = vector.load %arg7[%swap3A, %swap3A_323] : memref<64x512xf32, #tpu.memory_space<vmem>>, vector<64x512xf32>
      tpu.vector_store %arg7[%swap3A, %swap3A_323], %add3A_322 {strides = array<i32>} : memref<64x512xf32, #tpu.memory_space<vmem>>, vector<64x512xf32>,
    } else {
    }
    return
  }
  func.func @transform_0(%arg0: i32) -> (i32, i32) {
    %c0_i32 = arith.constant 0 : i32
    %c0_i32_0 = arith.constant 0 : i32
    %c0_i32_1 = arith.constant 0 : i32
    return %c0_i32, %c0_i32_0 : i32, i32
  }
  func.func @transform_1(%arg0: i32) -> (i32, i32) {
    %c0_i32 = arith.constant 0 : i32
    %c0_i32_0 = arith.constant 0 : i32
    %c0_i32_1 = arith.constant 0 : i32
    return %c0_i32, %c0_i32_0 : i32, i32
  }
  func.func @transform_2(%arg0: i32) -> (i32, i32, i32) {
    %c0_i32 = arith.constant 0 : i32
    %c0_i32_0 = arith.constant 0 : i32
    %c0_i32_1 = arith.constant 0 : i32
    return %arg0, %c0_i32, %c0_i32_0 : i32, i32, i32
  }
  func.func @transform_3(%arg0: i32) -> (i32, i32) {
    %c0_i32 = arith.constant 0 : i32
    %c0_i32_0 = arith.constant 0 : i32
    %c0_i32_1 = arith.constant 0 : i32
    return %c0_i32, %c0_i32_0 : i32, i32
  }
  func.func @transform_4(%arg0: i32) -> (i32, i32, i32) {
    %c0_i32 = arith.constant 0 : i32
    %c0_i32_0 = arith.constant 0 : i32
    %c0_i32_1 = arith.constant 0 : i32
    return %arg0, %c0_i32, %c0_i32_0 : i32, i32, i32
  }
  func.func @transform_5(%arg0: i32) -> (i32, i32) {
    %c0_i32 = arith.constant 0 : i32
    %c0_i32_0 = arith.constant 0 : i32
    %c0_i32_1 = arith.constant 0 : i32
    return %c0_i32, %c0_i32_0 : i32, i32
  }
  func.func @transform_6(%arg0: i32) -> (i32, i32) {
    %c0_i32 = arith.constant 0 : i32
    %c0_i32_0 = arith.constant 0 : i32
    %c0_i32_1 = arith.constant 0 : i32
    return %c0_i32, %c0_i32_0 : i32, i32
  }
}

module attributes {stable_mosaic.version = 14 : i64} {
  func.func @_gate_body(%arg0: memref<64x512xf32, #tpu.memory_space<vmem>>, %arg1: memref<16x512xf32, #tpu.memory_space<vmem>>, %arg2: memref<16xf32, #tpu.memory_space<vmem>>, %arg3: memref<64x16xf32, #tpu.memory_space<vmem>>) attributes {dimension_semantics = [], scalar_prefetch = 0 : i64, scratch_operands = 0 : i64, tpu.core_type = #tpu.core_type<tc>} {
    %get3A = arith.constant 0 : index
    %get3A_0 = arith.constant 0 : index
    %get3A_1 = vector.load %arg0[%get3A, %get3A_0] : memref<64x512xf32, #tpu.memory_space<vmem>>, vector<64x512xf32>
    %get3A_2 = arith.constant 0 : index
    %get3A_3 = arith.constant 0 : index
    %get3A_4 = vector.load %arg1[%get3A_2, %get3A_3] : memref<16x512xf32, #tpu.memory_space<vmem>>, vector<16x512xf32>
    %dot_general3A = arith.constant dense<0.000000e+00> : vector<64x16xf32>
    %dot_general3A_5 = tpu.matmul %get3A_1, %get3A_4, %dot_general3A {dimension_numbers = #tpu.dot_dimension_numbers<[1], [1], [0], [0], [0, 0, 1, 0], [], []>, transpose_lhs_hint = false} : vector<64x512xf32>, vector<16x512xf32>, vector<64x16xf32> -> vector<64x16xf32>
    %get3A_6 = arith.constant 0 : index
    %get3A_7 = vector.load %arg2[%get3A_6] : memref<16xf32, #tpu.memory_space<vmem>>, vector<16xf32>
    %broadcast_in_dim3A = vector.shape_cast %get3A_7 : vector<16xf32> to vector<1x16xf32>
    %add3A = vector.broadcast %broadcast_in_dim3A : vector<1x16xf32> to vector<64x16xf32>
    %add3A_8 = arith.addf %dot_general3A_5, %add3A : vector<64x16xf32>
    %swap3A = arith.constant 0 : index
    %swap3A_9 = arith.constant 0 : index
    %swap3A_10 = vector.load %arg3[%swap3A, %swap3A_9] : memref<64x16xf32, #tpu.memory_space<vmem>>, vector<64x16xf32>
    tpu.vector_store %arg3[%swap3A, %swap3A_9], %add3A_8 {strides = array<i32>} : memref<64x16xf32, #tpu.memory_space<vmem>>, vector<64x16xf32>,
    return
  }
}

</mosaic_0001>

<sc_bundles>
// kernel: kernel.5.cloned.1.call-start
scs
__scs_entry_jumppad:
0x0: {  	(pc) =	sbr.rel $0x88, $3  }
0x1: {  	(tag) =	ssettag $0x0;
	lr =	simm.s32 $0x1  }
0x2: {  	[smem:$0x3F9A] =	sst lr;
	_ =	strace $0xD0000000  }
0x3: {  	_ = 	snop  }
0x4: {  	_ = 	snop  }
0x5: {  	_ = 	snop  }
0x6: {  	_ = 	snop  }
0x7: {  	_ = 	snop  }
__scs_overlays_trampoline_lowered:
0x8: {  	[smem:$0x3FA9] =	sst s0  }
0x9: {  	[smem:$0x3FAA] =	sst s1  }
0xa: {  	[smem:$0x3FAB] =	sst s2  }
0xb: {  	[smem:$0x3FAC] =	sst s3  }
0xc: {  	[smem:$0x3FAD] =	sst s4  }
0xd: {  	[smem:$0x3FAE] =	sst s5  }
0xe: {  	[smem:$0x3FAF] =	sst s6  }
0xf: {  	[smem:$0x3FB0] =	sst s7  }
0x10: {  	[smem:$0x3FB1] =	sst s8  }
0x11: {  	[smem:$0x3FB2] =	sst s9;
	s0 =	simm.s32 @!p0 $0x0  }
0x12: {  	s1 =	sld [smem:$0x3F98];
	s0 =	simm.s32 @p0 $0x1  }
0x13: {  	[smem:$0x3FB3] =	sst s0;
	s0 =	simm.s32 @!p1 $0x0  }
0x14: {  	s2 =	sld [smem:$0x3F97];
	s0 =	simm.s32 @p1 $0x1  }
0x15: {  	[smem:$0x3FB4] =	sst s0;
	s0 =	simm.s32 @!p2 $0x0  }
0x16: {  	s3 =	sld [smem:$0x3FDB];
	s0 =	simm.s32 @p2 $0x1  }
0x17: {  	s4 =	simm.s32 $0x1BF5;
	[smem:$0x3FB6] =	sst s0  }
0x18: {  	s0 =	sld [smem:$0x3F99];
	_ =	swait.ge [sflag:s4], $0x0  }
0x19: {  	s7 =	sld [smem:$0x3F9A]  }
0x1a: {  	s8 =	sadd.s32 $0xFFFFE003, lr  }
0x1b: {  	s9 =	sadd.s32 $0xFFFFFEF7, lr;
	s5 =	simm.s32 $0xFFFFFFFF;
	p2 =	slt.u32 s8, $0xFFFFF086  }
0x1c: {  	p1 =	slt.u32 s9, $0xF7A;
	s5 =	simm.s32 @!p2 $0x0  }
0x1d: {  	s5 =	simm.s32 @p1 $0x1;
	p0 =	seq.s32 s7, s2  }
0x1e: {  	s7 =	smul.u32 @!p0 $0xF7A, s2;
	p2 =	seq.s32 @!p0 s5, $0x0  }
0x1f: {  	s9 =	smul.u32 $0xF7A, s1;
	s8 =	simm.s32 @!p0 $0x1BF5;
	p2 =	por !p2, p0  }
0x20: {  	[sflag:s8] =	ssyncset.s32 @!p0 $0xFFFFF086;
	s6 =	sadd.s32 @!p0 s3, s7;
	s7 =	simm.s32 @!p0 $0x108  }
0x21: {  	s3 =	sadd.s32 s3, s9;
	s6 =	sadd.s32 @!p0 $0x88, s6;
	s7 =	simm.s32 @p2 $0x1082  }
0x22: {  	[simem:s7], [sflag:s8] =	dma.local @!p0 [hbm:s6], $0xF7A  }
0x23: {  	s9 =	sor.u32 $0xD0000000, s2;
	s6 =	simm.s32 $0x108;
	_ =	swait.ge @!p0 [sflag:s8], $0x0  }
0x24: {  	s3 =	sadd.s32 $0x88, s3;
	s6 =	simm.s32 @!p1 $0x1082;
	[sflag:s4] =	ssyncset.s32 $0xFFFFF086  }
0x25: {  	[simem:s6], [sflag:s4] =	dma.local [hbm:s3], $0xF7A  }
0x26: {  	[smem:$0x3F9A] =	sst s1;
	(tag) =	ssettag s2;
	_ =	strace s9  }
0x27: {  	s1 =	sld [smem:$0x3FAA]  }
0x28: {  	s2 =	sld [smem:$0x3FAB]  }
0x29: {  	s4 =	sld [smem:$0x3FAD]  }
0x2a: {  	p0 =	seq.s32 s5, $0x0;
	s5 =	sld [smem:$0x3FAE]  }
0x2b: {  	s6 =	sld [smem:$0x3FAF]  }
0x2c: {  	s7 =	sld [smem:$0x3FB0]  }
0x2d: {  	s3 =	simm.s32 $0x108;
	s8 =	sld [smem:$0x3FB1]  }
0x2e: {  	s3 =	simm.s32 @!p0 $0x1082;
	s9 =	sld [smem:$0x3FB2]  }
0x2f: {  	lr =	sadd.s32 s0, s3;
	s0 =	sld [smem:$0x3FA9]  }
0x30: {  	s3 =	sld [smem:$0x3FAC]  }
0x31: {  	[smem:$0x3FB5] =	sst s10  }
0x32: {  	s10 =	sld [smem:$0x3FB3];
	_ =	sdelay $0x3  }
0x33: {  	p0 =	seq.s32 s10, $0x1;
	s10 =	sld [smem:$0x3FB5];
	_ =	sdelay $0x3  }
0x34: {  	[smem:$0x3FB5] =	sst s10  }
0x35: {  	s10 =	sld [smem:$0x3FB4];
	_ =	sdelay $0x3  }
0x36: {  	p1 =	seq.s32 s10, $0x1;
	s10 =	sld [smem:$0x3FB5];
	_ =	sdelay $0x3  }
0x37: {  	[smem:$0x3FB5] =	sst s10  }
0x38: {  	s10 =	sld [smem:$0x3FB6]  }
0x39: {  	_ = 	snop;
	(pc) =	sbr.ind lr, $3  }
0x3a: {  	_ = 	snop  }
0x3b: {  	_ = 	snop  }
0x3c: {  	p2 =	seq.s32 s10, $0x1;
	s10 =	sld [smem:$0x3FB5]  }
0x3d: {  	_ =	shalt  }
0x3e: {  	_ =	shalt  }
0x3f: {  	_ =	shalt  }
0x40: {  	_ =	shalt  }
0x41: {  	_ =	shalt  }
0x42: {  	_ =	shalt  }
0x43: {  	_ =	shalt  }
0x44: {  	_ =	shalt  }
0x45: {  	_ =	shalt  }
0x46: {  	_ =	shalt  }
0x47: {  	_ =	shalt  }
0x48: {  	_ =	shalt  }
0x49: {  	_ =	shalt  }
0x4a: {  	_ =	shalt  }
0x4b: {  	_ =	shalt  }
0x4c: {  	_ =	shalt  }
0x4d: {  	_ =	shalt  }
0x4e: {  	_ =	shalt  }
0x4f: {  	_ =	shalt  }
0x50: {  	_ =	shalt  }
0x51: {  	_ =	shalt  }
0x52: {  	_ =	shalt  }
0x53: {  	_ =	shalt  }
0x54: {  	_ =	shalt  }
0x55: {  	_ =	shalt  }
0x56: {  	_ =	shalt  }
0x57: {  	_ =	shalt  }
0x58: {  	_ =	shalt  }
0x59: {  	_ =	shalt  }
0x5a: {  	_ =	shalt  }
0x5b: {  	_ =	shalt  }
0x5c: {  	_ =	shalt  }
0x5d: {  	_ =	shalt  }
0x5e: {  	_ =	shalt  }
0x5f: {  	_ =	shalt  }
0x60: {  	_ =	shalt  }
0x61: {  	_ =	shalt  }
0x62: {  	_ =	shalt  }
0x63: {  	_ =	shalt  }
0x64: {  	_ =	shalt  }
0x65: {  	_ =	shalt  }
0x66: {  	_ =	shalt  }
0x67: {  	_ =	shalt  }
0x68: {  	_ =	shalt  }
0x69: {  	_ =	shalt  }
0x6a: {  	_ =	shalt  }
0x6b: {  	_ =	shalt  }
0x6c: {  	_ =	shalt  }
0x6d: {  	_ =	shalt  }
0x6e: {  	_ =	shalt  }
0x6f: {  	_ =	shalt  }
0x70: {  	_ =	shalt  }
0x71: {  	_ =	shalt  }
0x72: {  	_ =	shalt  }
0x73: {  	_ =	shalt  }
0x74: {  	_ =	shalt  }
0x75: {  	_ =	shalt  }
0x76: {  	_ =	shalt  }
0x77: {  	_ =	shalt  }
0x78: {  	_ =	shalt  }
0x79: {  	_ =	shalt  }
0x7a: {  	_ =	shalt  }
0x7b: {  	_ =	shalt  }
0x7c: {  	_ =	shalt  }
0x7d: {  	_ =	shalt  }
0x7e: {  	_ =	shalt  }
0x7f: {  	_ =	shalt  }
0x80: {  	_ =	shalt  }
0x81: {  	_ =	shalt  }
0x82: {  	_ =	shalt  }
0x83: {  	_ =	shalt  }
0x84: {  	_ =	shalt  }
0x85: {  	_ =	shalt  }
0x86: {  	_ =	shalt  }
0x87: {  	_ =	shalt  }
.Lfunc_end0:
.L_simem_size_0:
called_computation_lowered:
.L_overlay_start_0:
0x88: {  	s0 =	sld [smem:$0x3FD9]  }
0x89: {  	s1 =	sld [smem:$0x3FFE];
	_ =	sdelay $0x3  }
0x8a: {  	s0 =	sadd.s32 s1, s0  }
0x8b: {  	[smem:$0x3FC1] =	sst s0  }
0x8c: {  	_ = 	snop  }
0x8d: {  	s0 =	sld [smem:$0x3FD0];
	(tm) =	ssettm $0x1  }
0x8e: {  	s16 =	sld [smem:$0x3FFB];
	_ =	sdelay $0x3  }
0x8f: {  	_ =	strace s16  }
0x90: {  	s1 =	sld [smem:$0x3FFC];
	_ =	sdelay $0x3  }
0x91: {  	_ =	strace s1  }
0x92: {  	s1 =	sld [smem:$0x3FFD];
	_ =	sdelay $0x3  }
0x93: {  	_ =	strace s1  }
0x94: {  	_ =	strace $0x8FFFFFFF  }
0x95: {  	s17 =	sld [smem:$0x3FDB];
	_ =	sdelay $0x1  }
0x96: {  	s2 =	simm.s32 $_scs_section_size  }
0x97: {  	s3 =	simm.s32 $_size__tile_overlayer_lowered;
	s4 =	simm.s32 $_tile_overlayer_lowered  }
0x98: {  	s20 =	simm.s32 $0x1BFF;
	s19 =	sshll.u32 s4, $0x1;
	s1 =	sadd.s32 s2, s17  }
0x99: {  	s5 =	simm.s32 $0x0;
	s18 =	sshll.u32 s3, $0x1;
	s3 =	sadd.s32 s19, s1  }
0x9a: {  	[timem:s5], [sflag:s20] =	dma.local [hbm:s3], s18  }
0x9b: {  	_ =	swait.ge [sflag:s20], s18  }
0x9c: {  	s2 =	ssub.s32 $0x0, s18;
	[sflag:s20] =	ssyncset.done $0x0  }
0x9d: {  	[sflag:s20] =	ssyncadd.s32 s2;
	_ =	sdelay $0x1  }
0x9e: {  	s21 =	simm.s32 $0x1B8B  }
0x9f: {  	_ =	swait.ge [sflag:s21], $0x1  }
0xa0: {  	[sflag:s21] =	ssyncset.done $0x0  }
0xa1: {  	s23 =	simm.s32 $0x1B8E;
	s22 =	sld [smem:$0x3FFE];
	[sflag:s21] =	ssyncadd.s32 $0xFFFFFFFF  }
0xa2: {  	s24 =	simm.s32 $execute0_lowered;
	[smem:$0x3FD2] =	sst s23  }
0xa3: {  	s3 =	sshll.u32 s24, $0x1;
	_ =	strace $0x80000046;
	[dreg:$0x1] =	wrdreg $0xFFFFFFFF  }
0xa4: {  	s25 =	simm.s32 $_size_execute0_lowered;
	s1 =	sadd.s32 s1, s3;
	[dreg:$0x0] =	wrdreg $0x0  }
0xa5: {  	s3 =	sshll.u32 s25, $0x1;
	[dreg:$0x2] =	wrdreg s1  }
0xa6: {  	[dreg:$0x3] =	wrdreg s3  }
0xa7: {  	[dreg:$0x4] =	wrdreg $0xC0  }
0xa8: {  	_ =	task [dreg:s5], $0x5FFFF  }
0xa9: {  	[dreg:$0x1] =	wrdreg $0xFFFFFFFF  }
0xaa: {  	[dreg:$0x0] =	wrdreg $0x60  }
0xab: {  	[dreg:$0x2] =	wrdreg s0  }
0xac: {  	[dreg:$0x3] =	wrdreg s22  }
0xad: {  	[dreg:$0x4] =	wrdreg $0x9  }
0xae: {  	_ =	task.clear_ibuf [dreg:s5], $0x5FFFF;
	_ =	strace $0x90000046  }
0xaf: {  	s26 =	simm.s32 $0x9;
	_ =	strace $0x80000048  }
0xb0: {  	_ =	swait.ge [sflag:s26], $0x1  }
0xb1: {  	[sflag:s26] =	ssyncadd.s32 $0xFFFFFFFF  }
0xb2: {  	_ =	strace $0x90000048  }
0xb3: {  	_ =	sfence  }
0xb4: {  	s28 =	sld [smem:$0x0];
	_ =	sdelay $0x1  }
0xb5: {  	s29 =	srdreg.scid  }
0xb6: {  	s30 =	sshll.u32 s29, $0xD;
	s31 =	sshrl.u32 s29, $0x2  }
0xb7: {  	s2 =	sand.u32 $0x4000, s30;
	s1 =	sand.u32 $0x1, s29;
	s0 =	sadd.s32 s31, s28  }
0xb8: {  	s1 =	sor.u32 s2, s1;
	s0 =	sshll.u32 s0, $0x11  }
0xb9: {  	s0 =	sor.u32 s0, s1  }
0xba: {  	s0 =	sadd.s32 $0x8F2B, s0  }
0xbb: {  	[sflag:s0] =	ssyncadd.remote.s32 $0x1  }
0xbc: {  	_ =	sfence.sel $0xFFFF  }
0xbd: {  	[dreg:$0x0] =	wrdreg $0xFFFFFFFF;
	(pc) =	sbr.abs _section_cstart, $3  }
0xbe: {  	[dreg:$0x1] =	wrdreg $0xFFFFFFFF  }
0xbf: {  	_ =	task.clear_ibuf [dreg:s5], $0x2FFFF;
	_ =	strace $0x9FFFFFFF  }
0xc0: {  	(tm) =	ssettm $0x7FFFFFFF  }
0xc1: {  	_ =	shalt  }
tec
execute0_lowered:
.L_overlay_start_1:
0x0: {  	(tag) =	ssettag $0x1  }
0x1: {  	s4 =	rddreg [dreg:$0x0]  }
0x2: {  	s3 =	rddreg [dreg:$0x1]  }
0x3: {  	s0 =	rddreg [dreg:$0x2];
	s2 =	simm.s32 $0x0;
	s1 =	stileid.u32  }
0x4: {  	[smem:$0x7FF] =	sst s2;
	s5 =	sshll.u32 s1, $0x6  }
0x5: {  	s30 =	simm.s32 $0x1;
	v0 =	vimm.s32 $0xFEDCBA98;
	_ =	strace $0x80000047;
	s4 =	sadd.s32 s4, s5  }
0x6: {  	v1 =	vimm.s32 $0x76543210;
	v0 =	vunpack.c.l.s4.s8 v0;
	[tilespmem:s2], [sflag:$0x1] =	stream.linear.gather [hbm4b:s4+s2], $0x200, $0x38;
	[tilespmem:$0x400] =	vst v63  }
0x7: {  	v1 =	vunpack.c.l.s4.s8 v1;
	_ =	swait.ge [sflag:s30], $0x200  }
0x8: {  	v0 =	vunpack.c.0.s8.s32 v0;
	[sflag:s30] =	ssyncset.done $0x0  }
0x9: {  	v1 =	vunpack.c.0.s8.s32 v1;
	[sflag:s30] =	ssyncadd.s32 $0xFFFFFE00  }
0xa: {  	v3 =	vimm.s32 $0xBA98FEDC;
	v33 =	vimm.s32 $0x32107654;
	v0 =	vand.u32 $0xF, v0;
	v5 =	vld [tilespmem:$0x0]  }
0xb: {  	v32 =	vunpack.c.l.s4.s8 v3;
	v2 =	vcombine.low v0, v1;
	v1 =	vunpack.c.l.s4.s8 v33  }
0xc: {  	v4 =	vimm.s32 $0xDCFE98BA  }
0xd: {  	v6 =	vimm.s32 $0x54761032;
	v0 =	vunpack.c.0.s8.s32 v32;
	v1 =	vunpack.c.0.s8.s32 v1  }
0xe: {  	v7 =	vimm.s32 $0xEFCDAB89;
	v4 =	vunpack.c.l.s4.s8 v4;
	v6 =	vunpack.c.l.s4.s8 v6  }
0xf: {  	v8 =	vimm.s32 $0x67452301;
	v0 =	vcombine.low v1, v0;
	v34 =	vperm.xlane v5, v2  }
0x10: {  	v36 =	vunpack.c.l.s4.s8 v7;
	v35 =	vunpack.c.0.s8.s32 v4;
	v6 =	vunpack.c.0.s8.s32 v6  }
0x11: {  	v37 =	vunpack.c.l.s4.s8 v8;
	v4 =	vand.u32 $0xF, v0;
	v3 =	vmax.f32 v5, v34  }
0x12: {  	v1 =	vcombine.low v6, v35;
	v38 =	vperm.xlane v3, v4  }
0x13: {  	v39 =	vunpack.c.0.s8.s32 v37;
	v0 =	vunpack.c.0.s8.s32 v36  }
0x14: {  	v40 =	vmax.f32 v3, v38;
	v3 =	vand.u32 $0xF, v1  }
0x15: {  	v0 =	vcombine.low v39, v0;
	v1 =	vperm.xlane v40, v3  }
0x16: {  	v42 =	vld [tilespmem:$0x80]  }
0x17: {  	v41 =	vmax.f32 v40, v1;
	v1 =	vand.u32 $0xF, v0  }
0x18: {  	v0 =	vperm.xlane v41, v1;
	_ =	sdelay $0x1  }
0x19: {  	v6 =	vmax.f32 v41, v0  }
0x1a: {  	v10 =	vperm.xlane v42, v2;
	v0 =	vlaneseq.u32;
	vm0 =	veq.f32 v5, v6  }
0x1b: {  	v43 =	vnsel vm0, $0x10, v0  }
0x1c: {  	v44 =	vmax.f32 v42, v10;
	v9 =	vperm.xlane v43, v2  }
0x1d: {  	v11 =	vperm.xlane v44, v4  }
0x1e: {  	vm0 =	vlt.s32 v43, v9  }
0x1f: {  	v8 =	vsel vm0, v43, v9;
	v9 =	vmax.f32 v44, v11  }
0x20: {  	v45 =	vperm.xlane v8, v4;
	v46 =	vperm.xlane v9, v3;
	_ =	sdelay $0x1  }
0x21: {  	v12 =	vld [tilespmem:$0x100];
	vm0 =	vlt.s32 v8, v45;
	v9 =	vmax.f32 v9, v46  }
0x22: {  	v8 =	vsel vm0, v8, v45;
	v10 =	vperm.xlane v9, v1  }
0x23: {  	v47 =	vperm.xlane v8, v3  }
0x24: {  	v9 =	vmax.f32 v9, v10  }
0x25: {  	vm0 =	vlt.s32 v8, v47;
	vm5 =	veq.f32 v42, v9  }
0x26: {  	v13 =	vperm.xlane v12, v2;
	v8 =	vsel vm0, v8, v47;
	v48 =	vnsel vm5, $0x10, v0  }
0x27: {  	v11 =	vperm.xlane v8, v1;
	v49 =	vperm.xlane v48, v2  }
0x28: {  	v50 =	vmax.f32 v12, v13  }
0x29: {  	v52 =	vperm.xlane v50, v4;
	vm1 =	vlt.s32 v8, v11;
	vm6 =	vlt.s32 v48, v49  }
0x2a: {  	v8 =	vsel vm1, v8, v11;
	v10 =	vsel vm6, v48, v49  }
0x2b: {  	vm0 =	veq.s32 v8, v0;
	v14 =	vperm.xlane v10, v4;
	v8 =	vmax.f32 v50, v52  }
0x2c: {  	v55 =	vld [tilespmem:$0x180];
	v5 =	vsel vm0, $0xFF7FFFFF, v5;
	v15 =	vperm.xlane v8, v3  }
0x2d: {  	v51 =	vperm.xlane v5, v2;
	vm1 =	vlt.s32 v10, v14  }
0x2e: {  	v10 =	vsel vm1, v10, v14;
	v8 =	vmax.f32 v8, v15  }
0x2f: {  	v13 =	vmax.f32 v5, v51;
	v54 =	vperm.xlane v10, v3;
	v16 =	vperm.xlane v8, v1  }
0x30: {  	v53 =	vperm.xlane v13, v4  }
0x31: {  	v17 =	vperm.xlane v55, v2;
	vm1 =	vlt.s32 v10, v54;
	v8 =	vmax.f32 v8, v16  }
0x32: {  	v11 =	vmax.f32 v13, v53;
	v10 =	vsel vm1, v10, v54;
	vm7 =	veq.f32 v12, v8  }
0x33: {  	v56 =	vperm.xlane v11, v3;
	v58 =	vperm.xlane v10, v1;
	v59 =	vnsel vm7, $0x10, v0  }
0x34: {  	v61 =	vmax.f32 v55, v17;
	v60 =	vperm.xlane v59, v2  }
0x35: {  	v62 =	vperm.xlane v61, v4;
	v11 =	vmax.f32 v11, v56;
	vm8 =	vlt.s32 v10, v58  }
0x36: {  	v57 =	vperm.xlane v11, v1;
	v10 =	vsel vm8, v10, v58;
	vm2 =	vlt.s32 v59, v60  }
0x37: {  	vm1 =	veq.s32 v10, v0;
	v13 =	vsel vm2, v59, v60;
	v10 =	vmax.f32 v61, v62  }
0x38: {  	v11 =	vmax.f32 v11, v57;
	v7 =	vsel vm1, $0xFF7FFFFF, v42;
	v20 =	vperm.xlane v13, v4  }
0x39: {  	v15 =	vperm.xlane v10, v3;
	v6 =	vsub.f32 v11, v6;
	v63 =	vperm.xlane v7, v2  }
0x3a: {  	vm2 =	vlt.s32 v13, v20  }
0x3b: {  	v10 =	vmax.f32 v10, v15;
	v6 =	vmul.f32 $1.442695020e+00, v6;
	v21 =	vmax.f32 v7, v63  }
0x3c: {  	v13 =	vsel vm2, v13, v20;
	v23 =	vperm.xlane v10, v1;
	v16 =	vperm.xlane v21, v4  }
0x3d: {  	v22 =	vperm.xlane v13, v3;
	(erf) = vpow2.f32 v6  }
0x3e: {  	v10 =	vmax.f32 v10, v23  }
0x3f: {  	v6 =	vmax.f32 v21, v16;
	vm2 =	vlt.s32 v13, v22;
	vm9 =	veq.f32 v55, v10  }
0x40: {  	v16 =	vperm.xlane v6, v3;
	v13 =	vsel vm2, v13, v22;
	v24 =	vnsel vm9, $0x10, v0  }
0x41: {  	v15 =	vperm.xlane v13, v1;
	v18 =	vperm.xlane v24, v2  }
0x42: {  	v6 =	vmax.f32 v6, v16  }
0x43: {  	v25 =	vperm.xlane v6, v1;
	vm10 =	vlt.s32 v13, v15;
	vm3 =	vlt.s32 v24, v18  }
0x44: {  	v13 =	vsel vm10, v13, v15;
	v27 =	vsel vm3, v24, v18  }
0x45: {  	v6 =	vmax.f32 v6, v25;
	vm2 =	veq.s32 v13, v0;
	v29 =	vperm.xlane v27, v4  }
0x46: {  	v9 =	vsub.f32 v6, v9;
	v12 =	vsel vm2, $0xFF7FFFFF, v12;
	v26 =	vpop (erf)  }
0x47: {  	v30 =	vperm.xlane v12, v2;
	vm3 =	vlt.s32 v27, v29;
	v28 =	vadd.f32 $1.000000000e+00, v26  }
0x48: {  	v9 =	vmul.f32 $1.442695020e+00, v9;
	v13 =	vsel vm3, v27, v29  }
0x49: {  	v31 =	vmax.f32 v12, v30;
	v17 =	vperm.xlane v13, v3;
	(erf) = vrcp.f32 v28  }
0x4a: {  	v32 =	vperm.xlane v31, v4;
	(erf) = vpow2.f32 v9;
	_ =	sdelay $0x1  }
0x4b: {  	vm3 =	vlt.s32 v13, v17;
	v9 =	vmax.f32 v31, v32  }
0x4c: {  	v13 =	vsel vm3, v13, v17;
	v16 =	vperm.xlane v9, v3  }
0x4d: {  	v17 =	vperm.xlane v13, v1  }
0x4e: {  	v9 =	vmax.f32 v9, v16  }
0x4f: {  	vm3 =	vlt.s32 v13, v17;
	v16 =	vperm.xlane v9, v1  }
0x50: {  	v13 =	vsel vm3, v13, v17  }
0x51: {  	vm3 =	veq.s32 v13, v0;
	v9 =	vmax.f32 v9, v16;
	v33 =	vpop (erf)  }
0x52: {  	v14 =	vsel vm3, $0xFF7FFFFF, v55;
	v8 =	vsub.f32 v9, v8;
	v34 =	vpop (erf)  }
0x53: {  	v36 =	vperm.xlane v14, v2;
	v35 =	vadd.f32 $1.000000000e+00, v34  }
0x54: {  	v8 =	vmul.f32 $1.442695020e+00, v8  }
0x55: {  	v37 =	vmax.f32 v14, v36;
	(erf) = vrcp.f32 v35  }
0x56: {  	v38 =	vperm.xlane v37, v4;
	(erf) = vpow2.f32 v8;
	_ =	sdelay $0x1  }
0x57: {  	v8 =	vmax.f32 v37, v38  }
0x58: {  	v16 =	vperm.xlane v8, v3;
	_ =	sdelay $0x1  }
0x59: {  	v8 =	vmax.f32 v8, v16  }
0x5a: {  	v16 =	vperm.xlane v8, v1;
	_ =	sdelay $0x1  }
0x5b: {  	vm11 =	veq.f32 v7, v6;
	v8 =	vmax.f32 v8, v16;
	v39 =	vpop (erf)  }
0x5c: {  	v6 =	vnsel vm11, $0x10, v0;
	v10 =	vsub.f32 v8, v10;
	v40 =	vpop (erf)  }
0x5d: {  	v43 =	vperm.xlane v6, v2;
	v19 =	vadd.f32 $1.000000000e+00, v40  }
0x5e: {  	v10 =	vmul.f32 $1.442695020e+00, v10  }
0x5f: {  	vm4 =	veq.f32 v5, v11;
	vm14 =	vlt.s32 v6, v43;
	(erf) = vrcp.f32 v19  }
0x60: {  	v11 =	vnsel vm4, $0x10, v0;
	v6 =	vsel vm14, v6, v43;
	(erf) = vpow2.f32 v10  }
0x61: {  	v41 =	vperm.xlane v11, v2;
	v7 =	vperm.xlane v6, v4;
	vm12 =	veq.f32 v12, v9  }
0x62: {  	v9 =	vnsel vm12, $0x10, v0  }
0x63: {  	vm4 =	vlt.s32 v11, v41;
	vm10 =	vlt.s32 v6, v7;
	v44 =	vperm.xlane v9, v2  }
0x64: {  	v11 =	vsel vm4, v11, v41;
	v6 =	vsel vm10, v6, v7  }
0x65: {  	v53 =	vperm.xlane v6, v3;
	vm15 =	vlt.s32 v9, v44;
	vm13 =	veq.f32 v14, v8  }
0x66: {  	v42 =	vperm.xlane v11, v4;
	v9 =	vsel vm15, v9, v44;
	v46 =	vnsel vm13, $0x10, v0  }
0x67: {  	vm14 =	vlt.s32 v6, v53;
	v48 =	vperm.xlane v9, v4;
	v2 =	vperm.xlane v46, v2  }
0x68: {  	vm5 =	vlt.s32 v11, v42;
	v6 =	vsel vm14, v6, v53;
	v47 =	vpop (erf)  }
0x69: {  	v56 =	vperm.xlane v6, v1;
	vm11 =	vlt.s32 v9, v48;
	vm9 =	vlt.s32 v46, v2;
	v49 =	vpop (erf)  }
0x6a: {  	v51 =	vsel vm11, v9, v48;
	v2 =	vsel vm9, v46, v2;
	v50 =	vadd.f32 $1.000000000e+00, v49  }
0x6b: {  	v54 =	vperm.xlane v51, v3;
	v10 =	vsel vm5, v11, v42;
	v4 =	vperm.xlane v2, v4  }
0x6c: {  	v45 =	vperm.xlane v10, v3;
	(erf) = vrcp.f32 v50  }
0x6d: {  	vm10 =	vlt.s32 v6, v56;
	vm15 =	vlt.s32 v51, v54;
	vm12 =	vlt.s32 v2, v4  }
0x6e: {  	vm8 =	vlt.s32 v10, v45;
	v2 =	vsel vm12, v2, v4;
	v4 =	vsel vm15, v51, v54  }
0x6f: {  	v8 =	vsel vm8, v10, v45;
	v3 =	vperm.xlane v2, v3;
	v57 =	vperm.xlane v4, v1  }
0x70: {  	v55 =	vmul.f32 v33, v26;
	v6 =	vsel vm10, v6, v56;
	v52 =	vperm.xlane v8, v1  }
0x71: {  	v58 =	vmul.f32 v39, v34;
	vm8 =	vlt.s32 v2, v3;
	vm11 =	vlt.s32 v4, v57  }
0x72: {  	vm13 =	vlt.s32 v8, v52;
	v2 =	vsel vm8, v2, v3;
	v3 =	vsel vm11, v4, v57  }
0x73: {  	v8 =	vsel vm13, v8, v52;
	v1 =	vperm.xlane v2, v1;
	vm13 =	veq.s32 v6, v0  }
0x74: {  	vm14 =	veq.s32 v3, v0;
	vm9 =	veq.s32 v8, v0;
	v59 =	vmul.f32 v47, v40  }
0x75: {  	v4 =	vnsel vm13, $0x0, v58;
	v8 =	vnsel vm9, $0x0, v55;
	vm12 =	vlt.s32 v2, v1;
	v60 =	vpop (erf)  }
0x76: {  	v4 =	vsel vm1, v39, v4;
	v1 =	vsel vm12, v2, v1;
	v61 =	vmul.f32 v60, v49  }
0x77: {  	v8 =	vsel vm0, v33, v8;
	v2 =	vnsel vm14, $0x0, v59;
	[tilespmem:$0x280] =	vst v4;
	vm15 =	veq.s32 v1, v0  }
0x78: {  	[tilespmem:$0x200] =	vst v8;
	v62 =	vsel vm2, v47, v2;
	v1 =	vnsel vm15, $0x0, v61  }
0x79: {  	s3 =	sadd.s32 s5, s3;
	[tilespmem:$0x300] =	vst v62;
	v63 =	vsel vm3, v60, v1  }
0x7a: {  	s31 =	simm.s32 $0x200;
	s3 =	sadd.s32 $0x1400, s3;
	[tilespmem:$0x380] =	vst v63  }
0x7b: {  	[hbm4b:s3+s2] =	stream.linear.scatter [tilespmem:s31], [sflag:$0x1], $0x200, $0x38;
	[tilespmem:$0x400] =	vst v63  }
0x7c: {  	_ =	swait.ge [sflag:s30], $0x200  }
0x7d: {  	[sflag:s30] =	ssyncset.done $0x0  }
0x7e: {  	[sflag:s30] =	ssyncadd.s32 $0xFFFFFE00  }
0x7f: {  	_ =	sfence.sel $0x180000  }
0x80: {  	[bflag:$0x0] =	sbarrier.arrive $0xFFFF  }
0x81: {  	p0 =	sne.s32 s1, $0x0;
	_ =	strace $0x90000047  }
0x82: {  	s0 =	sadd.s32 @!p0 $0x100000, s0;
	[bflag:$0x2] =	sbarrier.arrive $0xFFFF  }
0x83: {  	[sflag:s0] =	ssyncadd.tile.s32 @!p0 $0x1;
	_ =	shalt  }
.Lfunc_end2:
_tile_overlayer_lowered:
.L_overlay_start_2:
0x84: {  	(tag) =	ssettag $0x2  }
0x85: {  	s0 =	rddreg [dreg:$0x0];
	s2 =	stileid.u32  }
0x86: {  	s1 =	rddreg [dreg:$0x1];
	p0 =	sne.s32 s2, $0x0  }
0x87: {  	s3 =	rddreg [dreg:$0x2];
	[bflag:$0x3] =	sbarrier.arrive $0xFFFF;
	s2 =	simm.s32 @!p0 $0x1C01  }
0x88: {  	[timem:s3], [sflag:s2] =	dma.local @!p0 [hbm:s0], s1  }
0x89: {  	s0 =	simm.s32 @!p0 $0x1  }
0x8a: {  	_ =	swait.ge @!p0 [sflag:s0], s1  }
0x8b: {  	s1 =	ssub.s32 @!p0 $0x0, s1;
	[sflag:s0] =	ssyncset.done @!p0 $0x0  }
0x8c: {  	[sflag:s0] =	ssyncadd.s32 @!p0 s1  }
0x8d: {  	[bflag:$0x3] =	sbarrier.arrive $0xFFFF  }
0x8e: {  	_ =	shalt  }

</sc_bundles>
